<compile_context>
chip_gen: v7x
topology: tpu7x:2x2x1
jax: 0.10.2.dev20260603
libtpu: 0.0.44.dev20260713+nightly
codegen_flags: <defaults>
</compile_context>

<pallas_src>
import jax
import jax.numpy as jnp
from jax import lax
from jax.experimental import pallas as pl
from jax.experimental.pallas import tpu as pltpu
from jax.experimental.pallas import tpu_sc as plsc

N = 10000
E = 320000
CH = 256
HALF = 128
POS = 8

NC = 2
NS = 16
CHUNK = 128
NCH = 160
EPAD = NS * NCH * CHUNK
R = 10240
RPT = R // NS
DCH = NCH // NC

BN = 1024
NPAD = R
GRID = NPAD // BN



def _deg_body(dstp_hbm, zeros1_hbm, ones_hbm, degp_hbm, dst_v, ones_v, deg_sp, sem):
    c = lax.axis_index("c")
    s = lax.axis_index("s")
    pltpu.sync_copy(zeros1_hbm, deg_sp.at[pl.ds(s * RPT, RPT)])
    pltpu.sync_copy(ones_hbm, ones_v)
    pltpu.sync_copy(dstp_hbm.at[s, pl.ds(c * DCH, DCH)], dst_v)
    plsc.subcore_barrier()

    def body(j, carry):
        pltpu.sync_copy(ones_v, deg_sp.at[dst_v.at[j]], add=True)
        return carry

    lax.fori_loop(0, DCH, body, 0)
    plsc.subcore_barrier()
    pltpu.sync_copy(deg_sp.at[pl.ds(s * RPT, RPT)],
                    degp_hbm.at[c, pl.ds(s * RPT, RPT)])


def _sc_degree(dstp, zeros1, ones):
    mesh = plsc.VectorSubcoreMesh(core_axis_name="c", subcore_axis_name="s")
    return pl.kernel(
        _deg_body,
        out_type=jax.ShapeDtypeStruct((NC, R), jnp.float32),
        mesh=mesh,
        scratch_types=[
            pltpu.VMEM((DCH, CHUNK), jnp.int32),
            pltpu.VMEM((CHUNK,), jnp.float32),
            pltpu.VMEM_SHARED((R,), jnp.float32),
            pltpu.SemaphoreType.DMA,
        ],
    )(dstp, zeros1, ones)


def _msg_body(g2_hbm, srcp_hbm, dstp_hbm, zrows_hbm, acc_hbm,
              src_0, src_1, src_2, src_3, dst_0, dst_1, dst_2, dst_3,
              rows_a, rows_b, acc_sp,
              sem_i0, sem_i1, sem_i2, sem_i3,
              sem_ra, sem_rb, sem_sa, sem_sb):
    c = lax.axis_index("c")
    s = lax.axis_index("s")
    pltpu.sync_copy(zrows_hbm, acc_sp.at[pl.ds(s * RPT, RPT)])
    plsc.subcore_barrier()

    srcs = (src_0, src_1, src_2, src_3)
    dsts = (dst_0, dst_1, dst_2, dst_3)
    rows = (rows_a, rows_b)
    isems = (sem_i0, sem_i1, sem_i2, sem_i3)
    rsems = (sem_ra, sem_rb)
    ssems = (sem_sa, sem_sb)

    def fetch_idx(chunk, slot):
        pltpu.async_copy(srcp_hbm.at[c, s, chunk], srcs[slot], isems[slot])
        pltpu.async_copy(dstp_hbm.at[s, chunk], dsts[slot], isems[slot])

    def wait_idx(slot):
        pltpu.make_async_copy(srcp_hbm.at[c, s, 0], srcs[slot], isems[slot]).wait()
        pltpu.make_async_copy(dstp_hbm.at[s, 0], dsts[slot], isems[slot]).wait()

    def wait_rows(slot):
        pltpu.make_async_copy(g2_hbm.at[srcs[0]], rows[slot], rsems[slot]).wait()

    def wait_scat(slot):
        pltpu.make_async_copy(rows[slot], acc_sp.at[dsts[0]], ssems[slot]).wait()

    fetch_idx(0, 0)
    fetch_idx(1, 1)
    wait_idx(0)
    pltpu.async_copy(g2_hbm.at[src_0], rows_a, sem_ra)
    fetch_idx(2, 2)

    def outer(j0, carry):
        for q in range(4):
            j = j0 * 4 + q
            b = q % 2
            nb = 1 - b
            wait_idx((q + 1) % 4)
            wait_rows(b)

            @pl.when(j > 0)
            def _():
                wait_scat(nb)

            jn = jnp.minimum(j + 1, NCH - 1)
            del jn
            pltpu.async_copy(g2_hbm.at[srcs[(q + 1) % 4]], rows[nb], rsems[nb])
            pltpu.async_copy(rows[b], acc_sp.at[dsts[q]], ssems[b], add=True)
            fetch_idx(jnp.minimum(j + 3, NCH - 1), (q + 3) % 4)
        return carry

    lax.fori_loop(0, NCH // 4, outer, 0)
    wait_rows(0)
    wait_scat(1)
    wait_idx(1)
    wait_idx(2)

    plsc.subcore_barrier()
    pltpu.sync_copy(acc_sp.at[pl.ds(s * RPT, RPT)],
                    acc_hbm.at[c, pl.ds(s * RPT, RPT)])


def _sc_messages(g2, srcp2, dstp, zrows):
    mesh = plsc.VectorSubcoreMesh(core_axis_name="c", subcore_axis_name="s")
    return pl.kernel(
        _msg_body,
        out_type=jax.ShapeDtypeStruct((NC, R, HALF), jnp.float32),
        mesh=mesh,
        scratch_types=(
            [pltpu.VMEM((CHUNK,), jnp.int32)] * 8
            + [
                pltpu.VMEM((CHUNK, HALF), jnp.float32),
                pltpu.VMEM((CHUNK, HALF), jnp.float32),
                pltpu.VMEM_SHARED((R, HALF), jnp.float32),
            ]
            + [pltpu.SemaphoreType.DMA] * 8
        ),
    )(g2, srcp2, dstp, zrows)



def _dense_body(x_ref, pos_ref, wpT_ref, wcT_ref, degs_ref, g_ref):
    y = jnp.dot(x_ref[...], wpT_ref[...], preferred_element_type=jnp.float32)
    pos = pos_ref[...]
    acc = jnp.zeros((BN, CH), dtype=jnp.float32)
    for p in range(POS):
        acc = acc + y[:, p * CH:(p + 1) * CH] * pos[:, p:p + 1]
    h3 = jnp.dot(acc.astype(jnp.bfloat16), wcT_ref[...],
                 preferred_element_type=jnp.float32)
    deg = degs_ref[:, 0] + degs_ref[:, 1] + 1.0
    dinv = lax.rsqrt(deg)
    g = h3 * dinv[:, None]
    g_ref[0] = g[:, :HALF]
    g_ref[1] = g[:, HALF:]


def _tc_dense(xp, posp, wpT, wcT, degsT):
    return pl.pallas_call(
        _dense_body,
        grid=(GRID,),
        in_specs=[
            pl.BlockSpec((BN, CH), lambda i: (i, 0)),
            pl.BlockSpec((BN, POS), lambda i: (i, 0)),
            pl.BlockSpec((CH, CH * POS), lambda i: (0, 0)),
            pl.BlockSpec((CH, CH), lambda i: (0, 0)),
            pl.BlockSpec((BN, NC), lambda i: (i, 0)),
        ],
        out_specs=pl.BlockSpec((NC, BN, HALF), lambda i: (0, i, 0)),
        out_shape=jax.ShapeDtypeStruct((NC, N, HALF), jnp.float32),
    )(xp, posp, wpT, wcT, degsT)


def _final_body(acc_ref, g_ref, degs_ref, bc_ref, out_ref):
    deg = degs_ref[:, 0] + degs_ref[:, 1] + 1.0
    dinv = lax.rsqrt(deg)[:, None]
    bc = bc_ref[...]
    out_ref[:, :HALF] = (acc_ref[0] + g_ref[0]) * dinv + bc[:, :HALF]
    out_ref[:, HALF:] = (acc_ref[1] + g_ref[1]) * dinv + bc[:, HALF:]


def _tc_final(acc, g, degsT, bc2):
    return pl.pallas_call(
        _final_body,
        grid=(GRID,),
        in_specs=[
            pl.BlockSpec((NC, BN, HALF), lambda i: (0, i, 0)),
            pl.BlockSpec((NC, BN, HALF), lambda i: (0, i, 0)),
            pl.BlockSpec((BN, NC), lambda i: (i, 0)),
            pl.BlockSpec((1, CH), lambda i: (0, 0)),
        ],
        out_specs=pl.BlockSpec((BN, CH), lambda i: (i, 0)),
        out_shape=jax.ShapeDtypeStruct((N, CH), jnp.float32),
    )(acc, g, degsT, bc2)



def kernel(x, edge_index, pos_embedding, Wp, Wc, bc):
    src = edge_index[0]
    dst = edge_index[1]
    npad = EPAD - E
    pad_ids = jnp.arange(npad, dtype=jnp.int32)
    srcp = jnp.concatenate([src, pad_ids % N]).reshape(NS, NCH, CHUNK)
    dstp = jnp.concatenate([dst, N + pad_ids % (R - N)]).reshape(NS, NCH, CHUNK)
    srcp2 = jnp.stack([srcp, srcp + N])

    zeros1 = jnp.zeros((RPT,), jnp.float32)
    ones = jnp.ones((CHUNK,), jnp.float32)
    zrows = jnp.zeros((RPT, HALF), jnp.float32)

    degp = _sc_degree(dstp, zeros1, ones)
    degsT = degp[:, :N].T

    xp = x.astype(jnp.bfloat16)
    g = _tc_dense(xp, pos_embedding, Wp.T, Wc.T, degsT)
    g2 = g.reshape(NC * N, HALF)

    acc = _sc_messages(g2, srcp2, dstp, zrows)

    out = _tc_final(acc, g, degsT, bc.reshape(1, CH))
    return out

# --- scband reference (transcript-rebuilt; emitter-appended) ---
"""Pipeline reference for scband-pos-gcnconv-24635932409859 (READ-ONLY COPY).

The authoritative reference and input builder live on the scoring server;
editing this copy changes nothing except your own understanding.
"""

import jax, jax.numpy as jnp
import numpy as np

N = 10000
E = 320000
IN_CH = 256
OUT_CH = 256
POS = 8


def setup_inputs(seed: int = 0) -> dict:
    key = jax.random.key(seed)
    k1, k2, k3, k4, k5 = jax.random.split(key, 5)
    x = jax.random.normal(k1, (N, IN_CH), dtype=jnp.float32)
    edge_index = jax.random.randint(k2, (2, E), 0, N, dtype=jnp.int32)
    pos_embedding = jax.random.normal(k3, (N, POS), dtype=jnp.float32)
    # proj: nn.Linear(in_channels, out_channels * pos_emb_size, bias=False) -> weight [out*pos, in]
    Wp = jax.random.normal(k4, (OUT_CH * POS, IN_CH), dtype=jnp.float32) * 0.05
    # GCNConv lin weight [out, out] and bias [out]
    Wc = jax.random.normal(k5, (OUT_CH, OUT_CH), dtype=jnp.float32) * 0.05
    bc = jnp.zeros((OUT_CH,), dtype=jnp.float32)
    return {"x": x, "edge_index": edge_index, "pos_embedding": pos_embedding, "Wp": Wp, "Wc": Wc, "bc": bc}


def reference(x, edge_index, pos_embedding, Wp, Wc, bc):
    # position-guided projection
    h = x @ Wp.T                       # [N, OUT_CH*POS]
    h = h.reshape(-1, POS, OUT_CH)      # [N, POS, OUT_CH]
    h = h * pos_embedding[:, :, None]   # weight by position embedding
    h = h.sum(axis=1)                   # [N, OUT_CH]
    # GCNConv with normalize=True: add self-loops, symmetric normalization
    src = edge_index[0]
    dst = edge_index[1]
    loop = jnp.arange(N, dtype=edge_index.dtype)
    src = jnp.concatenate([src, loop])
    dst = jnp.concatenate([dst, loop])
    h = h @ Wc.T                        # linear transform
    deg = jnp.zeros((N,), dtype=h.dtype).at[dst].add(1.0)
    dinv = jnp.where(deg > 0, jax.lax.rsqrt(deg), 0.0)
    norm = dinv[src] * dinv[dst]
    msg = h[src] * norm[:, None]        # gather + scale
    out = jnp.zeros((N, OUT_CH), dtype=h.dtype).at[dst].add(msg)  # scatter-add
    out = out + bc
    return out

if __name__ == "__main__":
    import jax
    _d = setup_inputs()
    print(jax.jit(kernel)(*tuple(_d.values())))

</pallas_src>

<mosaic_0001>
#map = affine_map<(d0, d1) -> (0, 0, 0)>
#map1 = affine_map<(d0, d1) -> (0)>
#map2 = affine_map<(d0, d1) -> (0, 0)>
module attributes {stable_mosaic.version = 14 : i64} {
  func.func @_deg_body(%arg0: i32, %arg1: i32, %arg2: memref<16x160x128xi32, #tpu.memory_space<hbm>>, %arg3: memref<640xf32, #tpu.memory_space<hbm>>, %arg4: memref<128xf32, #tpu.memory_space<hbm>>, %arg5: memref<2x10240xf32, #tpu.memory_space<hbm>>, %arg6: memref<80x128xi32, #tpu.memory_space<vmem>>, %arg7: memref<128xf32, #tpu.memory_space<vmem>>, %arg8: memref<10240xf32, #tpu.memory_space<vmem_shared>>, %arg9: memref<!tpu.dma_semaphore, #tpu.memory_space<semaphore_mem>>) attributes {dimension_semantics = [#tpu.dimension_semantics<core_parallel>, #tpu.dimension_semantics<subcore_parallel>], iteration_bounds = array<i64: 2, 16>, scalar_prefetch = 0 : i64, scratch_operands = 4 : i64, tpu.core_type = #tpu.core_type<sc_vector_subcore>, window_params = [{transform_indices = #map}, {transform_indices = #map1}, {transform_indices = #map1}, {transform_indices = #map2}]} {
    %mul3A = arith.constant 640 : i32
    %mul3A_0 = arith.muli %arg1, %mul3A : i32
    "tpu.region"() ({
      %run_scoped3A = tpu.sem_alloc : memref<!tpu.dma_semaphore, #tpu.memory_space<semaphore_mem>>
      %dma_start3A = tpu.memref_slice %arg8[%mul3A_0] : memref<10240xf32, #tpu.memory_space<vmem_shared>> -> memref<640xf32, #tpu.memory_space<vmem_shared>>
      tpu.enqueue_dma source(%arg3 : memref<640xf32, #tpu.memory_space<hbm>>) target(%dma_start3A : memref<640xf32, #tpu.memory_space<vmem_shared>>) target_semaphore(%run_scoped3A : memref<!tpu.dma_semaphore, #tpu.memory_space<semaphore_mem>>)
      %dma_wait3A = tpu.memref_slice %arg8[%mul3A_0] : memref<10240xf32, #tpu.memory_space<vmem_shared>> -> memref<640xf32, #tpu.memory_space<vmem_shared>>
      tpu.wait_dma2 semaphore(%run_scoped3A : memref<!tpu.dma_semaphore, #tpu.memory_space<semaphore_mem>>) src(%arg3 : memref<640xf32, #tpu.memory_space<hbm>>) dst(%dma_wait3A : memref<640xf32, #tpu.memory_space<vmem_shared>>)
      tpu.yield
    }) : () -> ()
    "tpu.region"() ({
      %run_scoped3A = tpu.sem_alloc : memref<!tpu.dma_semaphore, #tpu.memory_space<semaphore_mem>>
      tpu.enqueue_dma source(%arg4 : memref<128xf32, #tpu.memory_space<hbm>>) target(%arg7 : memref<128xf32, #tpu.memory_space<vmem>>) target_semaphore(%run_scoped3A : memref<!tpu.dma_semaphore, #tpu.memory_space<semaphore_mem>>)
      tpu.wait_dma2 semaphore(%run_scoped3A : memref<!tpu.dma_semaphore, #tpu.memory_space<semaphore_mem>>) src(%arg4 : memref<128xf32, #tpu.memory_space<hbm>>) dst(%arg7 : memref<128xf32, #tpu.memory_space<vmem>>)
      tpu.yield
    }) : () -> ()
    %mul3A_1 = arith.constant 80 : i32
    %mul3A_2 = arith.muli %arg0, %mul3A_1 : i32
    "tpu.region"() ({
      %run_scoped3A = tpu.sem_alloc : memref<!tpu.dma_semaphore, #tpu.memory_space<semaphore_mem>>
      %dma_start3A = arith.constant 0 : i32
      %dma_start3A_13 = tpu.memref_slice %arg2[%arg1, %mul3A_2, %dma_start3A] : memref<16x160x128xi32, #tpu.memory_space<hbm>> -> memref<1x80x128xi32, #tpu.memory_space<hbm>>
      %dma_start3A_14 = tpu.memref_squeeze %dma_start3A_13 : memref<1x80x128xi32, #tpu.memory_space<hbm>> -> memref<80x128xi32, #tpu.memory_space<hbm>>
      %dma_start3A_15 = arith.constant 0 : i32
      %dma_start3A_16 = tpu.memref_slice %arg2[%arg1, %mul3A_2, %dma_start3A_15] : memref<16x160x128xi32, #tpu.memory_space<hbm>> -> memref<1x80x128xi32, #tpu.memory_space<hbm>>
      %dma_start3A_17 = tpu.memref_squeeze %dma_start3A_16 : memref<1x80x128xi32, #tpu.memory_space<hbm>> -> memref<80x128xi32, #tpu.memory_space<hbm>>
      tpu.enqueue_dma source(%dma_start3A_17 : memref<80x128xi32, #tpu.memory_space<hbm>>) target(%arg6 : memref<80x128xi32, #tpu.memory_space<vmem>>) target_semaphore(%run_scoped3A : memref<!tpu.dma_semaphore, #tpu.memory_space<semaphore_mem>>)
      %dma_wait3A = arith.constant 0 : i32
      %dma_wait3A_18 = tpu.memref_slice %arg2[%arg1, %mul3A_2, %dma_wait3A] : memref<16x160x128xi32, #tpu.memory_space<hbm>> -> memref<1x80x128xi32, #tpu.memory_space<hbm>>
      %dma_wait3A_19 = tpu.memref_squeeze %dma_wait3A_18 : memref<1x80x128xi32, #tpu.memory_space<hbm>> -> memref<80x128xi32, #tpu.memory_space<hbm>>
      %dma_wait3A_20 = arith.constant 0 : i32
      %dma_wait3A_21 = tpu.memref_slice %arg2[%arg1, %mul3A_2, %dma_wait3A_20] : memref<16x160x128xi32, #tpu.memory_space<hbm>> -> memref<1x80x128xi32, #tpu.memory_space<hbm>>
      %dma_wait3A_22 = tpu.memref_squeeze %dma_wait3A_21 : memref<1x80x128xi32, #tpu.memory_space<hbm>> -> memref<80x128xi32, #tpu.memory_space<hbm>>
      tpu.wait_dma2 semaphore(%run_scoped3A : memref<!tpu.dma_semaphore, #tpu.memory_space<semaphore_mem>>) src(%dma_wait3A_22 : memref<80x128xi32, #tpu.memory_space<hbm>>) dst(%arg6 : memref<80x128xi32, #tpu.memory_space<vmem>>)
      tpu.yield
    }) : () -> ()
    %barrier3A = arith.constant 0 : index
    tpu.barrier barrier_id(%barrier3A)
    %scan3A = arith.constant 0 : i32
    %scan3A_3 = arith.constant 0 : i32
    %scan3A_4 = arith.constant 80 : i32
    %scan3A_5 = arith.addi %scan3A_3, %scan3A_4 : i32
    %scan3A_6 = arith.constant 1 : i32
    scf.for %scan3A_13 = %scan3A_3 to %scan3A_5 step %scan3A_6  : i32 {
      "tpu.region"() ({
        %run_scoped3A = tpu.sem_alloc : memref<!tpu.dma_semaphore, #tpu.memory_space<semaphore_mem>>
        %dma_start3A = arith.constant 0 : i32
        %dma_start3A_14 = tpu.memref_slice %arg6[%scan3A_13, %dma_start3A] : memref<80x128xi32, #tpu.memory_space<vmem>> -> memref<1x128xi32, #tpu.memory_space<vmem>>
        %dma_start3A_15 = tpu.memref_squeeze %dma_start3A_14 : memref<1x128xi32, #tpu.memory_space<vmem>> -> memref<128xi32, #tpu.memory_space<vmem>>
        %dma_start3A_16 = arith.constant 0 : i32
        %dma_start3A_17 = tpu.memref_slice %arg8[%dma_start3A_16] : memref<10240xf32, #tpu.memory_space<vmem_shared>> -> memref<10240xf32, #tpu.memory_space<vmem_shared>>
        tpu.enqueue_indirect_dma source(%arg7 : memref<128xf32, #tpu.memory_space<vmem>>) target(%dma_start3A_17 : memref<10240xf32, #tpu.memory_space<vmem_shared>>) offsets(%dma_start3A_15 : memref<128xi32, #tpu.memory_space<vmem>>) semaphore(%run_scoped3A : memref<!tpu.dma_semaphore, #tpu.memory_space<semaphore_mem>>) {add = true}
        %dma_wait3A = arith.constant 0 : i32
        %dma_wait3A_18 = tpu.memref_slice %arg6[%scan3A_13, %dma_wait3A] : memref<80x128xi32, #tpu.memory_space<vmem>> -> memref<1x128xi32, #tpu.memory_space<vmem>>
        %dma_wait3A_19 = tpu.memref_squeeze %dma_wait3A_18 : memref<1x128xi32, #tpu.memory_space<vmem>> -> memref<128xi32, #tpu.memory_space<vmem>>
        %dma_wait3A_20 = arith.constant 0 : i32
        %dma_wait3A_21 = tpu.memref_slice %arg8[%dma_wait3A_20] : memref<10240xf32, #tpu.memory_space<vmem_shared>> -> memref<10240xf32, #tpu.memory_space<vmem_shared>>
        tpu.wait_indirect_dma semaphore(%run_scoped3A : memref<!tpu.dma_semaphore, #tpu.memory_space<semaphore_mem>>) src(%arg7 : memref<128xf32, #tpu.memory_space<vmem>>) dst(%dma_wait3A_21 : memref<10240xf32, #tpu.memory_space<vmem_shared>>)
        tpu.yield
      }) : () -> ()
    }
    %scan3A_7 = arith.constant 80 : i32
    %barrier3A_8 = arith.constant 0 : index
    tpu.barrier barrier_id(%barrier3A_8)
    %mul3A_9 = arith.constant 640 : i32
    %mul3A_10 = arith.muli %arg1, %mul3A_9 : i32
    %mul3A_11 = arith.constant 640 : i32
    %mul3A_12 = arith.muli %arg1, %mul3A_11 : i32
    "tpu.region"() ({
      %run_scoped3A = tpu.sem_alloc : memref<!tpu.dma_semaphore, #tpu.memory_space<semaphore_mem>>
      %dma_start3A = tpu.memref_slice %arg5[%arg0, %mul3A_12] : memref<2x10240xf32, #tpu.memory_space<hbm>> -> memref<1x640xf32, #tpu.memory_space<hbm>>
      %dma_start3A_13 = tpu.memref_squeeze %dma_start3A : memref<1x640xf32, #tpu.memory_space<hbm>> -> memref<640xf32, #tpu.memory_space<hbm>>
      %dma_start3A_14 = tpu.memref_slice %arg8[%mul3A_10] : memref<10240xf32, #tpu.memory_space<vmem_shared>> -> memref<640xf32, #tpu.memory_space<vmem_shared>>
      tpu.enqueue_dma source(%dma_start3A_14 : memref<640xf32, #tpu.memory_space<vmem_shared>>) target(%dma_start3A_13 : memref<640xf32, #tpu.memory_space<hbm>>) target_semaphore(%run_scoped3A : memref<!tpu.dma_semaphore, #tpu.memory_space<semaphore_mem>>)
      %dma_wait3A = tpu.memref_slice %arg5[%arg0, %mul3A_12] : memref<2x10240xf32, #tpu.memory_space<hbm>> -> memref<1x640xf32, #tpu.memory_space<hbm>>
      %dma_wait3A_15 = tpu.memref_squeeze %dma_wait3A : memref<1x640xf32, #tpu.memory_space<hbm>> -> memref<640xf32, #tpu.memory_space<hbm>>
      %dma_wait3A_16 = tpu.memref_slice %arg8[%mul3A_10] : memref<10240xf32, #tpu.memory_space<vmem_shared>> -> memref<640xf32, #tpu.memory_space<vmem_shared>>
      tpu.wait_dma2 semaphore(%run_scoped3A : memref<!tpu.dma_semaphore, #tpu.memory_space<semaphore_mem>>) src(%dma_wait3A_16 : memref<640xf32, #tpu.memory_space<vmem_shared>>) dst(%dma_wait3A_15 : memref<640xf32, #tpu.memory_space<hbm>>)
      tpu.yield
    }) : () -> ()
    return
  }
}

#map = affine_map<(d0, d1) -> (0, 0)>
#map1 = affine_map<(d0, d1) -> (0, 0, 0, 0)>
#map2 = affine_map<(d0, d1) -> (0, 0, 0)>
module attributes {stable_mosaic.version = 14 : i64} {
  func.func @_msg_body(%arg0: i32, %arg1: i32, %arg2: memref<20000x128xf32, #tpu.memory_space<hbm>>, %arg3: memref<2x16x160x128xi32, #tpu.memory_space<hbm>>, %arg4: memref<16x160x128xi32, #tpu.memory_space<hbm>>, %arg5: memref<640x128xf32, #tpu.memory_space<hbm>>, %arg6: memref<2x10240x128xf32, #tpu.memory_space<hbm>>, %arg7: memref<128xi32, #tpu.memory_space<vmem>>, %arg8: memref<128xi32, #tpu.memory_space<vmem>>, %arg9: memref<128xi32, #tpu.memory_space<vmem>>, %arg10: memref<128xi32, #tpu.memory_space<vmem>>, %arg11: memref<128xi32, #tpu.memory_space<vmem>>, %arg12: memref<128xi32, #tpu.memory_space<vmem>>, %arg13: memref<128xi32, #tpu.memory_space<vmem>>, %arg14: memref<128xi32, #tpu.memory_space<vmem>>, %arg15: memref<128x128xf32, #tpu.memory_space<vmem>>, %arg16: memref<128x128xf32, #tpu.memory_space<vmem>>, %arg17: memref<10240x128xf32, #tpu.memory_space<vmem_shared>>, %arg18: memref<!tpu.dma_semaphore, #tpu.memory_space<semaphore_mem>>, %arg19: memref<!tpu.dma_semaphore, #tpu.memory_space<semaphore_mem>>, %arg20: memref<!tpu.dma_semaphore, #tpu.memory_space<semaphore_mem>>, %arg21: memref<!tpu.dma_semaphore, #tpu.memory_space<semaphore_mem>>, %arg22: memref<!tpu.dma_semaphore, #tpu.memory_space<semaphore_mem>>, %arg23: memref<!tpu.dma_semaphore, #tpu.memory_space<semaphore_mem>>, %arg24: memref<!tpu.dma_semaphore, #tpu.memory_space<semaphore_mem>>, %arg25: memref<!tpu.dma_semaphore, #tpu.memory_space<semaphore_mem>>) attributes {dimension_semantics = [#tpu.dimension_semantics<core_parallel>, #tpu.dimension_semantics<subcore_parallel>], iteration_bounds = array<i64: 2, 16>, scalar_prefetch = 0 : i64, scratch_operands = 19 : i64, tpu.core_type = #tpu.core_type<sc_vector_subcore>, window_params = [{transform_indices = #map}, {transform_indices = #map1}, {transform_indices = #map2}, {transform_indices = #map}, {transform_indices = #map2}]} {
    %mul3A = arith.constant 640 : i32
    %mul3A_0 = arith.muli %arg1, %mul3A : i32
    "tpu.region"() ({
      %run_scoped3A = tpu.sem_alloc : memref<!tpu.dma_semaphore, #tpu.memory_space<semaphore_mem>>
      %dma_start3A_102 = arith.constant 0 : i32
      %dma_start3A_103 = tpu.memref_slice %arg17[%mul3A_0, %dma_start3A_102] : memref<10240x128xf32, #tpu.memory_space<vmem_shared>> -> memref<640x128xf32, #tpu.memory_space<vmem_shared>>
      tpu.enqueue_dma source(%arg5 : memref<640x128xf32, #tpu.memory_space<hbm>>) target(%dma_start3A_103 : memref<640x128xf32, #tpu.memory_space<vmem_shared>>) target_semaphore(%run_scoped3A : memref<!tpu.dma_semaphore, #tpu.memory_space<semaphore_mem>>)
      %dma_wait3A_104 = arith.constant 0 : i32
      %dma_wait3A_105 = tpu.memref_slice %arg17[%mul3A_0, %dma_wait3A_104] : memref<10240x128xf32, #tpu.memory_space<vmem_shared>> -> memref<640x128xf32, #tpu.memory_space<vmem_shared>>
      tpu.wait_dma2 semaphore(%run_scoped3A : memref<!tpu.dma_semaphore, #tpu.memory_space<semaphore_mem>>) src(%arg5 : memref<640x128xf32, #tpu.memory_space<hbm>>) dst(%dma_wait3A_105 : memref<640x128xf32, #tpu.memory_space<vmem_shared>>)
      tpu.yield
    }) : () -> ()
    %barrier3A = arith.constant 0 : index
    tpu.barrier barrier_id(%barrier3A)
    %dma_start3A = arith.constant 0 : i32
    %dma_start3A_1 = arith.constant 0 : i32
    %dma_start3A_2 = tpu.memref_slice %arg3[%arg0, %arg1, %dma_start3A, %dma_start3A_1] : memref<2x16x160x128xi32, #tpu.memory_space<hbm>> -> memref<1x1x1x128xi32, #tpu.memory_space<hbm>>
    %dma_start3A_3 = tpu.memref_squeeze %dma_start3A_2 : memref<1x1x1x128xi32, #tpu.memory_space<hbm>> -> memref<128xi32, #tpu.memory_space<hbm>>
    %dma_start3A_4 = arith.constant 0 : i32
    %dma_start3A_5 = tpu.memref_slice %arg3[%arg0, %arg1, %dma_start3A, %dma_start3A_4] : memref<2x16x160x128xi32, #tpu.memory_space<hbm>> -> memref<1x1x1x128xi32, #tpu.memory_space<hbm>>
    %dma_start3A_6 = tpu.memref_squeeze %dma_start3A_5 : memref<1x1x1x128xi32, #tpu.memory_space<hbm>> -> memref<128xi32, #tpu.memory_space<hbm>>
    tpu.enqueue_dma source(%dma_start3A_6 : memref<128xi32, #tpu.memory_space<hbm>>) target(%arg7 : memref<128xi32, #tpu.memory_space<vmem>>) target_semaphore(%arg18 : memref<!tpu.dma_semaphore, #tpu.memory_space<semaphore_mem>>)
    %dma_start3A_7 = arith.constant 0 : i32
    %dma_start3A_8 = arith.constant 0 : i32
    %dma_start3A_9 = tpu.memref_slice %arg4[%arg1, %dma_start3A_7, %dma_start3A_8] : memref<16x160x128xi32, #tpu.memory_space<hbm>> -> memref<1x1x128xi32, #tpu.memory_space<hbm>>
    %dma_start3A_10 = tpu.memref_squeeze %dma_start3A_9 : memref<1x1x128xi32, #tpu.memory_space<hbm>> -> memref<128xi32, #tpu.memory_space<hbm>>
    %dma_start3A_11 = arith.constant 0 : i32
    %dma_start3A_12 = tpu.memref_slice %arg4[%arg1, %dma_start3A_7, %dma_start3A_11] : memref<16x160x128xi32, #tpu.memory_space<hbm>> -> memref<1x1x128xi32, #tpu.memory_space<hbm>>
    %dma_start3A_13 = tpu.memref_squeeze %dma_start3A_12 : memref<1x1x128xi32, #tpu.memory_space<hbm>> -> memref<128xi32, #tpu.memory_space<hbm>>
    tpu.enqueue_dma source(%dma_start3A_13 : memref<128xi32, #tpu.memory_space<hbm>>) target(%arg11 : memref<128xi32, #tpu.memory_space<vmem>>) target_semaphore(%arg18 : memref<!tpu.dma_semaphore, #tpu.memory_space<semaphore_mem>>)
    %dma_start3A_14 = arith.constant 1 : i32
    %dma_start3A_15 = arith.constant 0 : i32
    %dma_start3A_16 = tpu.memref_slice %arg3[%arg0, %arg1, %dma_start3A_14, %dma_start3A_15] : memref<2x16x160x128xi32, #tpu.memory_space<hbm>> -> memref<1x1x1x128xi32, #tpu.memory_space<hbm>>
    %dma_start3A_17 = tpu.memref_squeeze %dma_start3A_16 : memref<1x1x1x128xi32, #tpu.memory_space<hbm>> -> memref<128xi32, #tpu.memory_space<hbm>>
    %dma_start3A_18 = arith.constant 0 : i32
    %dma_start3A_19 = tpu.memref_slice %arg3[%arg0, %arg1, %dma_start3A_14, %dma_start3A_18] : memref<2x16x160x128xi32, #tpu.memory_space<hbm>> -> memref<1x1x1x128xi32, #tpu.memory_space<hbm>>
    %dma_start3A_20 = tpu.memref_squeeze %dma_start3A_19 : memref<1x1x1x128xi32, #tpu.memory_space<hbm>> -> memref<128xi32, #tpu.memory_space<hbm>>
    tpu.enqueue_dma source(%dma_start3A_20 : memref<128xi32, #tpu.memory_space<hbm>>) target(%arg8 : memref<128xi32, #tpu.memory_space<vmem>>) target_semaphore(%arg19 : memref<!tpu.dma_semaphore, #tpu.memory_space<semaphore_mem>>)
    %dma_start3A_21 = arith.constant 1 : i32
    %dma_start3A_22 = arith.constant 0 : i32
    %dma_start3A_23 = tpu.memref_slice %arg4[%arg1, %dma_start3A_21, %dma_start3A_22] : memref<16x160x128xi32, #tpu.memory_space<hbm>> -> memref<1x1x128xi32, #tpu.memory_space<hbm>>
    %dma_start3A_24 = tpu.memref_squeeze %dma_start3A_23 : memref<1x1x128xi32, #tpu.memory_space<hbm>> -> memref<128xi32, #tpu.memory_space<hbm>>
    %dma_start3A_25 = arith.constant 0 : i32
    %dma_start3A_26 = tpu.memref_slice %arg4[%arg1, %dma_start3A_21, %dma_start3A_25] : memref<16x160x128xi32, #tpu.memory_space<hbm>> -> memref<1x1x128xi32, #tpu.memory_space<hbm>>
    %dma_start3A_27 = tpu.memref_squeeze %dma_start3A_26 : memref<1x1x128xi32, #tpu.memory_space<hbm>> -> memref<128xi32, #tpu.memory_space<hbm>>
    tpu.enqueue_dma source(%dma_start3A_27 : memref<128xi32, #tpu.memory_space<hbm>>) target(%arg12 : memref<128xi32, #tpu.memory_space<vmem>>) target_semaphore(%arg19 : memref<!tpu.dma_semaphore, #tpu.memory_space<semaphore_mem>>)
    %dma_wait3A = arith.constant 0 : i32
    %dma_wait3A_28 = arith.constant 0 : i32
    %dma_wait3A_29 = tpu.memref_slice %arg3[%arg0, %arg1, %dma_wait3A, %dma_wait3A_28] : memref<2x16x160x128xi32, #tpu.memory_space<hbm>> -> memref<1x1x1x128xi32, #tpu.memory_space<hbm>>
    %dma_wait3A_30 = tpu.memref_squeeze %dma_wait3A_29 : memref<1x1x1x128xi32, #tpu.memory_space<hbm>> -> memref<128xi32, #tpu.memory_space<hbm>>
    %dma_wait3A_31 = arith.constant 0 : i32
    %dma_wait3A_32 = tpu.memref_slice %arg3[%arg0, %arg1, %dma_wait3A, %dma_wait3A_31] : memref<2x16x160x128xi32, #tpu.memory_space<hbm>> -> memref<1x1x1x128xi32, #tpu.memory_space<hbm>>
    %dma_wait3A_33 = tpu.memref_squeeze %dma_wait3A_32 : memref<1x1x1x128xi32, #tpu.memory_space<hbm>> -> memref<128xi32, #tpu.memory_space<hbm>>
    tpu.wait_dma2 semaphore(%arg18 : memref<!tpu.dma_semaphore, #tpu.memory_space<semaphore_mem>>) src(%dma_wait3A_33 : memref<128xi32, #tpu.memory_space<hbm>>) dst(%arg7 : memref<128xi32, #tpu.memory_space<vmem>>)
    %dma_wait3A_34 = arith.constant 0 : i32
    %dma_wait3A_35 = arith.constant 0 : i32
    %dma_wait3A_36 = tpu.memref_slice %arg4[%arg1, %dma_wait3A_34, %dma_wait3A_35] : memref<16x160x128xi32, #tpu.memory_space<hbm>> -> memref<1x1x128xi32, #tpu.memory_space<hbm>>
    %dma_wait3A_37 = tpu.memref_squeeze %dma_wait3A_36 : memref<1x1x128xi32, #tpu.memory_space<hbm>> -> memref<128xi32, #tpu.memory_space<hbm>>
    %dma_wait3A_38 = arith.constant 0 : i32
    %dma_wait3A_39 = tpu.memref_slice %arg4[%arg1, %dma_wait3A_34, %dma_wait3A_38] : memref<16x160x128xi32, #tpu.memory_space<hbm>> -> memref<1x1x128xi32, #tpu.memory_space<hbm>>
    %dma_wait3A_40 = tpu.memref_squeeze %dma_wait3A_39 : memref<1x1x128xi32, #tpu.memory_space<hbm>> -> memref<128xi32, #tpu.memory_space<hbm>>
    tpu.wait_dma2 semaphore(%arg18 : memref<!tpu.dma_semaphore, #tpu.memory_space<semaphore_mem>>) src(%dma_wait3A_40 : memref<128xi32, #tpu.memory_space<hbm>>) dst(%arg11 : memref<128xi32, #tpu.memory_space<vmem>>)
    %dma_start3A_41 = arith.constant 0 : i32
    %dma_start3A_42 = arith.constant 0 : i32
    %dma_start3A_43 = tpu.memref_slice %arg2[%dma_start3A_41, %dma_start3A_42] : memref<20000x128xf32, #tpu.memory_space<hbm>> -> memref<20000x128xf32, #tpu.memory_space<hbm>>
    tpu.enqueue_indirect_dma source(%dma_start3A_43 : memref<20000x128xf32, #tpu.memory_space<hbm>>) target(%arg15 : memref<128x128xf32, #tpu.memory_space<vmem>>) offsets(%arg7 : memref<128xi32, #tpu.memory_space<vmem>>) semaphore(%arg22 : memref<!tpu.dma_semaphore, #tpu.memory_space<semaphore_mem>>)
    %dma_start3A_44 = arith.constant 2 : i32
    %dma_start3A_45 = arith.constant 0 : i32
    %dma_start3A_46 = tpu.memref_slice %arg3[%arg0, %arg1, %dma_start3A_44, %dma_start3A_45] : memref<2x16x160x128xi32, #tpu.memory_space<hbm>> -> memref<1x1x1x128xi32, #tpu.memory_space<hbm>>
    %dma_start3A_47 = tpu.memref_squeeze %dma_start3A_46 : memref<1x1x1x128xi32, #tpu.memory_space<hbm>> -> memref<128xi32, #tpu.memory_space<hbm>>
    %dma_start3A_48 = arith.constant 0 : i32
    %dma_start3A_49 = tpu.memref_slice %arg3[%arg0, %arg1, %dma_start3A_44, %dma_start3A_48] : memref<2x16x160x128xi32, #tpu.memory_space<hbm>> -> memref<1x1x1x128xi32, #tpu.memory_space<hbm>>
    %dma_start3A_50 = tpu.memref_squeeze %dma_start3A_49 : memref<1x1x1x128xi32, #tpu.memory_space<hbm>> -> memref<128xi32, #tpu.memory_space<hbm>>
    tpu.enqueue_dma source(%dma_start3A_50 : memref<128xi32, #tpu.memory_space<hbm>>) target(%arg9 : memref<128xi32, #tpu.memory_space<vmem>>) target_semaphore(%arg20 : memref<!tpu.dma_semaphore, #tpu.memory_space<semaphore_mem>>)
    %dma_start3A_51 = arith.constant 2 : i32
    %dma_start3A_52 = arith.constant 0 : i32
    %dma_start3A_53 = tpu.memref_slice %arg4[%arg1, %dma_start3A_51, %dma_start3A_52] : memref<16x160x128xi32, #tpu.memory_space<hbm>> -> memref<1x1x128xi32, #tpu.memory_space<hbm>>
    %dma_start3A_54 = tpu.memref_squeeze %dma_start3A_53 : memref<1x1x128xi32, #tpu.memory_space<hbm>> -> memref<128xi32, #tpu.memory_space<hbm>>
    %dma_start3A_55 = arith.constant 0 : i32
    %dma_start3A_56 = tpu.memref_slice %arg4[%arg1, %dma_start3A_51, %dma_start3A_55] : memref<16x160x128xi32, #tpu.memory_space<hbm>> -> memref<1x1x128xi32, #tpu.memory_space<hbm>>
    %dma_start3A_57 = tpu.memref_squeeze %dma_start3A_56 : memref<1x1x128xi32, #tpu.memory_space<hbm>> -> memref<128xi32, #tpu.memory_space<hbm>>
    tpu.enqueue_dma source(%dma_start3A_57 : memref<128xi32, #tpu.memory_space<hbm>>) target(%arg13 : memref<128xi32, #tpu.memory_space<vmem>>) target_semaphore(%arg20 : memref<!tpu.dma_semaphore, #tpu.memory_space<semaphore_mem>>)
    %scan3A = arith.constant 0 : i32
    %scan3A_58 = arith.constant 0 : i32
    %scan3A_59 = arith.constant 40 : i32
    %scan3A_60 = arith.addi %scan3A_58, %scan3A_59 : i32
    %scan3A_61 = arith.constant 1 : i32
    scf.for %scan3A_102 = %scan3A_58 to %scan3A_60 step %scan3A_61  : i32 {
      %mul3A_103 = arith.constant 4 : i32
      %mul3A_104 = arith.muli %scan3A_102, %mul3A_103 : i32
      %add3A = arith.constant 0 : i32
      %add3A_105 = arith.addi %mul3A_104, %add3A : i32
      %dma_wait3A_106 = arith.constant 0 : i32
      %dma_wait3A_107 = arith.constant 0 : i32
      %dma_wait3A_108 = tpu.memref_slice %arg3[%arg0, %arg1, %dma_wait3A_106, %dma_wait3A_107] : memref<2x16x160x128xi32, #tpu.memory_space<hbm>> -> memref<1x1x1x128xi32, #tpu.memory_space<hbm>>
      %dma_wait3A_109 = tpu.memref_squeeze %dma_wait3A_108 : memref<1x1x1x128xi32, #tpu.memory_space<hbm>> -> memref<128xi32, #tpu.memory_space<hbm>>
      %dma_wait3A_110 = arith.constant 0 : i32
      %dma_wait3A_111 = tpu.memref_slice %arg3[%arg0, %arg1, %dma_wait3A_106, %dma_wait3A_110] : memref<2x16x160x128xi32, #tpu.memory_space<hbm>> -> memref<1x1x1x128xi32, #tpu.memory_space<hbm>>
      %dma_wait3A_112 = tpu.memref_squeeze %dma_wait3A_111 : memref<1x1x1x128xi32, #tpu.memory_space<hbm>> -> memref<128xi32, #tpu.memory_space<hbm>>
      tpu.wait_dma2 semaphore(%arg19 : memref<!tpu.dma_semaphore, #tpu.memory_space<semaphore_mem>>) src(%dma_wait3A_112 : memref<128xi32, #tpu.memory_space<hbm>>) dst(%arg8 : memref<128xi32, #tpu.memory_space<vmem>>)
      %dma_wait3A_113 = arith.constant 0 : i32
      %dma_wait3A_114 = arith.constant 0 : i32
      %dma_wait3A_115 = tpu.memref_slice %arg4[%arg1, %dma_wait3A_113, %dma_wait3A_114] : memref<16x160x128xi32, #tpu.memory_space<hbm>> -> memref<1x1x128xi32, #tpu.memory_space<hbm>>
      %dma_wait3A_116 = tpu.memref_squeeze %dma_wait3A_115 : memref<1x1x128xi32, #tpu.memory_space<hbm>> -> memref<128xi32, #tpu.memory_space<hbm>>
      %dma_wait3A_117 = arith.constant 0 : i32
      %dma_wait3A_118 = tpu.memref_slice %arg4[%arg1, %dma_wait3A_113, %dma_wait3A_117] : memref<16x160x128xi32, #tpu.memory_space<hbm>> -> memref<1x1x128xi32, #tpu.memory_space<hbm>>
      %dma_wait3A_119 = tpu.memref_squeeze %dma_wait3A_118 : memref<1x1x128xi32, #tpu.memory_space<hbm>> -> memref<128xi32, #tpu.memory_space<hbm>>
      tpu.wait_dma2 semaphore(%arg19 : memref<!tpu.dma_semaphore, #tpu.memory_space<semaphore_mem>>) src(%dma_wait3A_119 : memref<128xi32, #tpu.memory_space<hbm>>) dst(%arg12 : memref<128xi32, #tpu.memory_space<vmem>>)
      %dma_wait3A_120 = arith.constant 0 : i32
      %dma_wait3A_121 = arith.constant 0 : i32
      %dma_wait3A_122 = tpu.memref_slice %arg2[%dma_wait3A_120, %dma_wait3A_121] : memref<20000x128xf32, #tpu.memory_space<hbm>> -> memref<20000x128xf32, #tpu.memory_space<hbm>>
      tpu.wait_indirect_dma semaphore(%arg22 : memref<!tpu.dma_semaphore, #tpu.memory_space<semaphore_mem>>) src(%dma_wait3A_122 : memref<20000x128xf32, #tpu.memory_space<hbm>>) dst(%arg15 : memref<128x128xf32, #tpu.memory_space<vmem>>)
      %gt3A = arith.constant 0 : i32
      %gt3A_123 = arith.cmpi sgt, %add3A_105, %gt3A : i32
      %convert_element_type3A = arith.extui %gt3A_123 : i1 to i32
      %cond3A = arith.constant 0 : i32
      %cond3A_124 = arith.cmpi ne, %convert_element_type3A, %cond3A : i32
      scf.if %cond3A_124 {
        %dma_wait3A_306 = arith.constant 0 : i32
        %dma_wait3A_307 = arith.constant 0 : i32
        %dma_wait3A_308 = tpu.memref_slice %arg17[%dma_wait3A_306, %dma_wait3A_307] : memref<10240x128xf32, #tpu.memory_space<vmem_shared>> -> memref<10240x128xf32, #tpu.memory_space<vmem_shared>>
        tpu.wait_indirect_dma semaphore(%arg25 : memref<!tpu.dma_semaphore, #tpu.memory_space<semaphore_mem>>) src(%arg16 : memref<128x128xf32, #tpu.memory_space<vmem>>) dst(%dma_wait3A_308 : memref<10240x128xf32, #tpu.memory_space<vmem_shared>>)
      } else {
      }
      %add3A_125 = arith.constant 1 : i32
      %add3A_126 = arith.addi %add3A_105, %add3A_125 : i32
      %min3A = arith.constant 159 : i32
      %min3A_127 = arith.minsi %add3A_126, %min3A : i32
      %dma_start3A_128 = arith.constant 0 : i32
      %dma_start3A_129 = arith.constant 0 : i32
      %dma_start3A_130 = tpu.memref_slice %arg2[%dma_start3A_128, %dma_start3A_129] : memref<20000x128xf32, #tpu.memory_space<hbm>> -> memref<20000x128xf32, #tpu.memory_space<hbm>>
      tpu.enqueue_indirect_dma source(%dma_start3A_130 : memref<20000x128xf32, #tpu.memory_space<hbm>>) target(%arg16 : memref<128x128xf32, #tpu.memory_space<vmem>>) offsets(%arg8 : memref<128xi32, #tpu.memory_space<vmem>>) semaphore(%arg23 : memref<!tpu.dma_semaphore, #tpu.memory_space<semaphore_mem>>)
      %dma_start3A_131 = arith.constant 0 : i32
      %dma_start3A_132 = arith.constant 0 : i32
      %dma_start3A_133 = tpu.memref_slice %arg17[%dma_start3A_131, %dma_start3A_132] : memref<10240x128xf32, #tpu.memory_space<vmem_shared>> -> memref<10240x128xf32, #tpu.memory_space<vmem_shared>>
      tpu.enqueue_indirect_dma source(%arg15 : memref<128x128xf32, #tpu.memory_space<vmem>>) target(%dma_start3A_133 : memref<10240x128xf32, #tpu.memory_space<vmem_shared>>) offsets(%arg11 : memref<128xi32, #tpu.memory_space<vmem>>) semaphore(%arg24 : memref<!tpu.dma_semaphore, #tpu.memory_space<semaphore_mem>>) {add = true}
      %add3A_134 = arith.constant 3 : i32
      %add3A_135 = arith.addi %add3A_105, %add3A_134 : i32
      %min3A_136 = arith.constant 159 : i32
      %min3A_137 = arith.minsi %add3A_135, %min3A_136 : i32
      %dma_start3A_138 = arith.constant 0 : i32
      %dma_start3A_139 = tpu.memref_slice %arg3[%arg0, %arg1, %min3A_137, %dma_start3A_138] : memref<2x16x160x128xi32, #tpu.memory_space<hbm>> -> memref<1x1x1x128xi32, #tpu.memory_space<hbm>>
      %dma_start3A_140 = tpu.memref_squeeze %dma_start3A_139 : memref<1x1x1x128xi32, #tpu.memory_space<hbm>> -> memref<128xi32, #tpu.memory_space<hbm>>
      %dma_start3A_141 = arith.constant 0 : i32
      %dma_start3A_142 = tpu.memref_slice %arg3[%arg0, %arg1, %min3A_137, %dma_start3A_141] : memref<2x16x160x128xi32, #tpu.memory_space<hbm>> -> memref<1x1x1x128xi32, #tpu.memory_space<hbm>>
      %dma_start3A_143 = tpu.memref_squeeze %dma_start3A_142 : memref<1x1x1x128xi32, #tpu.memory_space<hbm>> -> memref<128xi32, #tpu.memory_space<hbm>>
      tpu.enqueue_dma source(%dma_start3A_143 : memref<128xi32, #tpu.memory_space<hbm>>) target(%arg10 : memref<128xi32, #tpu.memory_space<vmem>>) target_semaphore(%arg21 : memref<!tpu.dma_semaphore, #tpu.memory_space<semaphore_mem>>)
      %dma_start3A_144 = arith.constant 0 : i32
      %dma_start3A_145 = tpu.memref_slice %arg4[%arg1, %min3A_137, %dma_start3A_144] : memref<16x160x128xi32, #tpu.memory_space<hbm>> -> memref<1x1x128xi32, #tpu.memory_space<hbm>>
      %dma_start3A_146 = tpu.memref_squeeze %dma_start3A_145 : memref<1x1x128xi32, #tpu.memory_space<hbm>> -> memref<128xi32, #tpu.memory_space<hbm>>
      %dma_start3A_147 = arith.constant 0 : i32
      %dma_start3A_148 = tpu.memref_slice %arg4[%arg1, %min3A_137, %dma_start3A_147] : memref<16x160x128xi32, #tpu.memory_space<hbm>> -> memref<1x1x128xi32, #tpu.memory_space<hbm>>
      %dma_start3A_149 = tpu.memref_squeeze %dma_start3A_148 : memref<1x1x128xi32, #tpu.memory_space<hbm>> -> memref<128xi32, #tpu.memory_space<hbm>>
      tpu.enqueue_dma source(%dma_start3A_149 : memref<128xi32, #tpu.memory_space<hbm>>) target(%arg14 : memref<128xi32, #tpu.memory_space<vmem>>) target_semaphore(%arg21 : memref<!tpu.dma_semaphore, #tpu.memory_space<semaphore_mem>>)
      %mul3A_150 = arith.constant 4 : i32
      %mul3A_151 = arith.muli %scan3A_102, %mul3A_150 : i32
      %add3A_152 = arith.constant 1 : i32
      %add3A_153 = arith.addi %mul3A_151, %add3A_152 : i32
      %dma_wait3A_154 = arith.constant 0 : i32
      %dma_wait3A_155 = arith.constant 0 : i32
      %dma_wait3A_156 = tpu.memref_slice %arg3[%arg0, %arg1, %dma_wait3A_154, %dma_wait3A_155] : memref<2x16x160x128xi32, #tpu.memory_space<hbm>> -> memref<1x1x1x128xi32, #tpu.memory_space<hbm>>
      %dma_wait3A_157 = tpu.memref_squeeze %dma_wait3A_156 : memref<1x1x1x128xi32, #tpu.memory_space<hbm>> -> memref<128xi32, #tpu.memory_space<hbm>>
      %dma_wait3A_158 = arith.constant 0 : i32
      %dma_wait3A_159 = tpu.memref_slice %arg3[%arg0, %arg1, %dma_wait3A_154, %dma_wait3A_158] : memref<2x16x160x128xi32, #tpu.memory_space<hbm>> -> memref<1x1x1x128xi32, #tpu.memory_space<hbm>>
      %dma_wait3A_160 = tpu.memref_squeeze %dma_wait3A_159 : memref<1x1x1x128xi32, #tpu.memory_space<hbm>> -> memref<128xi32, #tpu.memory_space<hbm>>
      tpu.wait_dma2 semaphore(%arg20 : memref<!tpu.dma_semaphore, #tpu.memory_space<semaphore_mem>>) src(%dma_wait3A_160 : memref<128xi32, #tpu.memory_space<hbm>>) dst(%arg9 : memref<128xi32, #tpu.memory_space<vmem>>)
      %dma_wait3A_161 = arith.constant 0 : i32
      %dma_wait3A_162 = arith.constant 0 : i32
      %dma_wait3A_163 = tpu.memref_slice %arg4[%arg1, %dma_wait3A_161, %dma_wait3A_162] : memref<16x160x128xi32, #tpu.memory_space<hbm>> -> memref<1x1x128xi32, #tpu.memory_space<hbm>>
      %dma_wait3A_164 = tpu.memref_squeeze %dma_wait3A_163 : memref<1x1x128xi32, #tpu.memory_space<hbm>> -> memref<128xi32, #tpu.memory_space<hbm>>
      %dma_wait3A_165 = arith.constant 0 : i32
      %dma_wait3A_166 = tpu.memref_slice %arg4[%arg1, %dma_wait3A_161, %dma_wait3A_165] : memref<16x160x128xi32, #tpu.memory_space<hbm>> -> memref<1x1x128xi32, #tpu.memory_space<hbm>>
      %dma_wait3A_167 = tpu.memref_squeeze %dma_wait3A_166 : memref<1x1x128xi32, #tpu.memory_space<hbm>> -> memref<128xi32, #tpu.memory_space<hbm>>
      tpu.wait_dma2 semaphore(%arg20 : memref<!tpu.dma_semaphore, #tpu.memory_space<semaphore_mem>>) src(%dma_wait3A_167 : memref<128xi32, #tpu.memory_space<hbm>>) dst(%arg13 : memref<128xi32, #tpu.memory_space<vmem>>)
      %dma_wait3A_168 = arith.constant 0 : i32
      %dma_wait3A_169 = arith.constant 0 : i32
      %dma_wait3A_170 = tpu.memref_slice %arg2[%dma_wait3A_168, %dma_wait3A_169] : memref<20000x128xf32, #tpu.memory_space<hbm>> -> memref<20000x128xf32, #tpu.memory_space<hbm>>
      tpu.wait_indirect_dma semaphore(%arg23 : memref<!tpu.dma_semaphore, #tpu.memory_space<semaphore_mem>>) src(%dma_wait3A_170 : memref<20000x128xf32, #tpu.memory_space<hbm>>) dst(%arg16 : memref<128x128xf32, #tpu.memory_space<vmem>>)
      %gt3A_171 = arith.constant 0 : i32
      %gt3A_172 = arith.cmpi sgt, %add3A_153, %gt3A_171 : i32
      %convert_element_type3A_173 = arith.extui %gt3A_172 : i1 to i32
      %cond3A_174 = arith.constant 0 : i32
      %cond3A_175 = arith.cmpi ne, %convert_element_type3A_173, %cond3A_174 : i32
      scf.if %cond3A_175 {
        %dma_wait3A_306 = arith.constant 0 : i32
        %dma_wait3A_307 = arith.constant 0 : i32
        %dma_wait3A_308 = tpu.memref_slice %arg17[%dma_wait3A_306, %dma_wait3A_307] : memref<10240x128xf32, #tpu.memory_space<vmem_shared>> -> memref<10240x128xf32, #tpu.memory_space<vmem_shared>>
        tpu.wait_indirect_dma semaphore(%arg24 : memref<!tpu.dma_semaphore, #tpu.memory_space<semaphore_mem>>) src(%arg15 : memref<128x128xf32, #tpu.memory_space<vmem>>) dst(%dma_wait3A_308 : memref<10240x128xf32, #tpu.memory_space<vmem_shared>>)
      } else {
      }
      %add3A_176 = arith.constant 1 : i32
      %add3A_177 = arith.addi %add3A_153, %add3A_176 : i32
      %min3A_178 = arith.constant 159 : i32
      %min3A_179 = arith.minsi %add3A_177, %min3A_178 : i32
      %dma_start3A_180 = arith.constant 0 : i32
      %dma_start3A_181 = arith.constant 0 : i32
      %dma_start3A_182 = tpu.memref_slice %arg2[%dma_start3A_180, %dma_start3A_181] : memref<20000x128xf32, #tpu.memory_space<hbm>> -> memref<20000x128xf32, #tpu.memory_space<hbm>>
      tpu.enqueue_indirect_dma source(%dma_start3A_182 : memref<20000x128xf32, #tpu.memory_space<hbm>>) target(%arg15 : memref<128x128xf32, #tpu.memory_space<vmem>>) offsets(%arg9 : memref<128xi32, #tpu.memory_space<vmem>>) semaphore(%arg22 : memref<!tpu.dma_semaphore, #tpu.memory_space<semaphore_mem>>)
      %dma_start3A_183 = arith.constant 0 : i32
      %dma_start3A_184 = arith.constant 0 : i32
      %dma_start3A_185 = tpu.memref_slice %arg17[%dma_start3A_183, %dma_start3A_184] : memref<10240x128xf32, #tpu.memory_space<vmem_shared>> -> memref<10240x128xf32, #tpu.memory_space<vmem_shared>>
      tpu.enqueue_indirect_dma source(%arg16 : memref<128x128xf32, #tpu.memory_space<vmem>>) target(%dma_start3A_185 : memref<10240x128xf32, #tpu.memory_space<vmem_shared>>) offsets(%arg12 : memref<128xi32, #tpu.memory_space<vmem>>) semaphore(%arg25 : memref<!tpu.dma_semaphore, #tpu.memory_space<semaphore_mem>>) {add = true}
      %add3A_186 = arith.constant 3 : i32
      %add3A_187 = arith.addi %add3A_153, %add3A_186 : i32
      %min3A_188 = arith.constant 159 : i32
      %min3A_189 = arith.minsi %add3A_187, %min3A_188 : i32
      %dma_start3A_190 = arith.constant 0 : i32
      %dma_start3A_191 = tpu.memref_slice %arg3[%arg0, %arg1, %min3A_189, %dma_start3A_190] : memref<2x16x160x128xi32, #tpu.memory_space<hbm>> -> memref<1x1x1x128xi32, #tpu.memory_space<hbm>>
      %dma_start3A_192 = tpu.memref_squeeze %dma_start3A_191 : memref<1x1x1x128xi32, #tpu.memory_space<hbm>> -> memref<128xi32, #tpu.memory_space<hbm>>
      %dma_start3A_193 = arith.constant 0 : i32
      %dma_start3A_194 = tpu.memref_slice %arg3[%arg0, %arg1, %min3A_189, %dma_start3A_193] : memref<2x16x160x128xi32, #tpu.memory_space<hbm>> -> memref<1x1x1x128xi32, #tpu.memory_space<hbm>>
      %dma_start3A_195 = tpu.memref_squeeze %dma_start3A_194 : memref<1x1x1x128xi32, #tpu.memory_space<hbm>> -> memref<128xi32, #tpu.memory_space<hbm>>
      tpu.enqueue_dma source(%dma_start3A_195 : memref<128xi32, #tpu.memory_space<hbm>>) target(%arg7 : memref<128xi32, #tpu.memory_space<vmem>>) target_semaphore(%arg18 : memref<!tpu.dma_semaphore, #tpu.memory_space<semaphore_mem>>)
      %dma_start3A_196 = arith.constant 0 : i32
      %dma_start3A_197 = tpu.memref_slice %arg4[%arg1, %min3A_189, %dma_start3A_196] : memref<16x160x128xi32, #tpu.memory_space<hbm>> -> memref<1x1x128xi32, #tpu.memory_space<hbm>>
      %dma_start3A_198 = tpu.memref_squeeze %dma_start3A_197 : memref<1x1x128xi32, #tpu.memory_space<hbm>> -> memref<128xi32, #tpu.memory_space<hbm>>
      %dma_start3A_199 = arith.constant 0 : i32
      %dma_start3A_200 = tpu.memref_slice %arg4[%arg1, %min3A_189, %dma_start3A_199] : memref<16x160x128xi32, #tpu.memory_space<hbm>> -> memref<1x1x128xi32, #tpu.memory_space<hbm>>
      %dma_start3A_201 = tpu.memref_squeeze %dma_start3A_200 : memref<1x1x128xi32, #tpu.memory_space<hbm>> -> memref<128xi32, #tpu.memory_space<hbm>>
      tpu.enqueue_dma source(%dma_start3A_201 : memref<128xi32, #tpu.memory_space<hbm>>) target(%arg11 : memref<128xi32, #tpu.memory_space<vmem>>) target_semaphore(%arg18 : memref<!tpu.dma_semaphore, #tpu.memory_space<semaphore_mem>>)
      %mul3A_202 = arith.constant 4 : i32
      %mul3A_203 = arith.muli %scan3A_102, %mul3A_202 : i32
      %add3A_204 = arith.constant 2 : i32
      %add3A_205 = arith.addi %mul3A_203, %add3A_204 : i32
      %dma_wait3A_206 = arith.constant 0 : i32
      %dma_wait3A_207 = arith.constant 0 : i32
      %dma_wait3A_208 = tpu.memref_slice %arg3[%arg0, %arg1, %dma_wait3A_206, %dma_wait3A_207] : memref<2x16x160x128xi32, #tpu.memory_space<hbm>> -> memref<1x1x1x128xi32, #tpu.memory_space<hbm>>
      %dma_wait3A_209 = tpu.memref_squeeze %dma_wait3A_208 : memref<1x1x1x128xi32, #tpu.memory_space<hbm>> -> memref<128xi32, #tpu.memory_space<hbm>>
      %dma_wait3A_210 = arith.constant 0 : i32
      %dma_wait3A_211 = tpu.memref_slice %arg3[%arg0, %arg1, %dma_wait3A_206, %dma_wait3A_210] : memref<2x16x160x128xi32, #tpu.memory_space<hbm>> -> memref<1x1x1x128xi32, #tpu.memory_space<hbm>>
      %dma_wait3A_212 = tpu.memref_squeeze %dma_wait3A_211 : memref<1x1x1x128xi32, #tpu.memory_space<hbm>> -> memref<128xi32, #tpu.memory_space<hbm>>
      tpu.wait_dma2 semaphore(%arg21 : memref<!tpu.dma_semaphore, #tpu.memory_space<semaphore_mem>>) src(%dma_wait3A_212 : memref<128xi32, #tpu.memory_space<hbm>>) dst(%arg10 : memref<128xi32, #tpu.memory_space<vmem>>)
      %dma_wait3A_213 = arith.constant 0 : i32
      %dma_wait3A_214 = arith.constant 0 : i32
      %dma_wait3A_215 = tpu.memref_slice %arg4[%arg1, %dma_wait3A_213, %dma_wait3A_214] : memref<16x160x128xi32, #tpu.memory_space<hbm>> -> memref<1x1x128xi32, #tpu.memory_space<hbm>>
      %dma_wait3A_216 = tpu.memref_squeeze %dma_wait3A_215 : memref<1x1x128xi32, #tpu.memory_space<hbm>> -> memref<128xi32, #tpu.memory_space<hbm>>
      %dma_wait3A_217 = arith.constant 0 : i32
      %dma_wait3A_218 = tpu.memref_slice %arg4[%arg1, %dma_wait3A_213, %dma_wait3A_217] : memref<16x160x128xi32, #tpu.memory_space<hbm>> -> memref<1x1x128xi32, #tpu.memory_space<hbm>>
      %dma_wait3A_219 = tpu.memref_squeeze %dma_wait3A_218 : memref<1x1x128xi32, #tpu.memory_space<hbm>> -> memref<128xi32, #tpu.memory_space<hbm>>
      tpu.wait_dma2 semaphore(%arg21 : memref<!tpu.dma_semaphore, #tpu.memory_space<semaphore_mem>>) src(%dma_wait3A_219 : memref<128xi32, #tpu.memory_space<hbm>>) dst(%arg14 : memref<128xi32, #tpu.memory_space<vmem>>)
      %dma_wait3A_220 = arith.constant 0 : i32
      %dma_wait3A_221 = arith.constant 0 : i32
      %dma_wait3A_222 = tpu.memref_slice %arg2[%dma_wait3A_220, %dma_wait3A_221] : memref<20000x128xf32, #tpu.memory_space<hbm>> -> memref<20000x128xf32, #tpu.memory_space<hbm>>
      tpu.wait_indirect_dma semaphore(%arg22 : memref<!tpu.dma_semaphore, #tpu.memory_space<semaphore_mem>>) src(%dma_wait3A_222 : memref<20000x128xf32, #tpu.memory_space<hbm>>) dst(%arg15 : memref<128x128xf32, #tpu.memory_space<vmem>>)
      %gt3A_223 = arith.constant 0 : i32
      %gt3A_224 = arith.cmpi sgt, %add3A_205, %gt3A_223 : i32
      %convert_element_type3A_225 = arith.extui %gt3A_224 : i1 to i32
      %cond3A_226 = arith.constant 0 : i32
      %cond3A_227 = arith.cmpi ne, %convert_element_type3A_225, %cond3A_226 : i32
      scf.if %cond3A_227 {
        %dma_wait3A_306 = arith.constant 0 : i32
        %dma_wait3A_307 = arith.constant 0 : i32
        %dma_wait3A_308 = tpu.memref_slice %arg17[%dma_wait3A_306, %dma_wait3A_307] : memref<10240x128xf32, #tpu.memory_space<vmem_shared>> -> memref<10240x128xf32, #tpu.memory_space<vmem_shared>>
        tpu.wait_indirect_dma semaphore(%arg25 : memref<!tpu.dma_semaphore, #tpu.memory_space<semaphore_mem>>) src(%arg16 : memref<128x128xf32, #tpu.memory_space<vmem>>) dst(%dma_wait3A_308 : memref<10240x128xf32, #tpu.memory_space<vmem_shared>>)
      } else {
      }
      %add3A_228 = arith.constant 1 : i32
      %add3A_229 = arith.addi %add3A_205, %add3A_228 : i32
      %min3A_230 = arith.constant 159 : i32
      %min3A_231 = arith.minsi %add3A_229, %min3A_230 : i32
      %dma_start3A_232 = arith.constant 0 : i32
      %dma_start3A_233 = arith.constant 0 : i32
      %dma_start3A_234 = tpu.memref_slice %arg2[%dma_start3A_232, %dma_start3A_233] : memref<20000x128xf32, #tpu.memory_space<hbm>> -> memref<20000x128xf32, #tpu.memory_space<hbm>>
      tpu.enqueue_indirect_dma source(%dma_start3A_234 : memref<20000x128xf32, #tpu.memory_space<hbm>>) target(%arg16 : memref<128x128xf32, #tpu.memory_space<vmem>>) offsets(%arg10 : memref<128xi32, #tpu.memory_space<vmem>>) semaphore(%arg23 : memref<!tpu.dma_semaphore, #tpu.memory_space<semaphore_mem>>)
      %dma_start3A_235 = arith.constant 0 : i32
      %dma_start3A_236 = arith.constant 0 : i32
      %dma_start3A_237 = tpu.memref_slice %arg17[%dma_start3A_235, %dma_start3A_236] : memref<10240x128xf32, #tpu.memory_space<vmem_shared>> -> memref<10240x128xf32, #tpu.memory_space<vmem_shared>>
      tpu.enqueue_indirect_dma source(%arg15 : memref<128x128xf32, #tpu.memory_space<vmem>>) target(%dma_start3A_237 : memref<10240x128xf32, #tpu.memory_space<vmem_shared>>) offsets(%arg13 : memref<128xi32, #tpu.memory_space<vmem>>) semaphore(%arg24 : memref<!tpu.dma_semaphore, #tpu.memory_space<semaphore_mem>>) {add = true}
      %add3A_238 = arith.constant 3 : i32
      %add3A_239 = arith.addi %add3A_205, %add3A_238 : i32
      %min3A_240 = arith.constant 159 : i32
      %min3A_241 = arith.minsi %add3A_239, %min3A_240 : i32
      %dma_start3A_242 = arith.constant 0 : i32
      %dma_start3A_243 = tpu.memref_slice %arg3[%arg0, %arg1, %min3A_241, %dma_start3A_242] : memref<2x16x160x128xi32, #tpu.memory_space<hbm>> -> memref<1x1x1x128xi32, #tpu.memory_space<hbm>>
      %dma_start3A_244 = tpu.memref_squeeze %dma_start3A_243 : memref<1x1x1x128xi32, #tpu.memory_space<hbm>> -> memref<128xi32, #tpu.memory_space<hbm>>
      %dma_start3A_245 = arith.constant 0 : i32
      %dma_start3A_246 = tpu.memref_slice %arg3[%arg0, %arg1, %min3A_241, %dma_start3A_245] : memref<2x16x160x128xi32, #tpu.memory_space<hbm>> -> memref<1x1x1x128xi32, #tpu.memory_space<hbm>>
      %dma_start3A_247 = tpu.memref_squeeze %dma_start3A_246 : memref<1x1x1x128xi32, #tpu.memory_space<hbm>> -> memref<128xi32, #tpu.memory_space<hbm>>
      tpu.enqueue_dma source(%dma_start3A_247 : memref<128xi32, #tpu.memory_space<hbm>>) target(%arg8 : memref<128xi32, #tpu.memory_space<vmem>>) target_semaphore(%arg19 : memref<!tpu.dma_semaphore, #tpu.memory_space<semaphore_mem>>)
      %dma_start3A_248 = arith.constant 0 : i32
      %dma_start3A_249 = tpu.memref_slice %arg4[%arg1, %min3A_241, %dma_start3A_248] : memref<16x160x128xi32, #tpu.memory_space<hbm>> -> memref<1x1x128xi32, #tpu.memory_space<hbm>>
      %dma_start3A_250 = tpu.memref_squeeze %dma_start3A_249 : memref<1x1x128xi32, #tpu.memory_space<hbm>> -> memref<128xi32, #tpu.memory_space<hbm>>
      %dma_start3A_251 = arith.constant 0 : i32
      %dma_start3A_252 = tpu.memref_slice %arg4[%arg1, %min3A_241, %dma_start3A_251] : memref<16x160x128xi32, #tpu.memory_space<hbm>> -> memref<1x1x128xi32, #tpu.memory_space<hbm>>
      %dma_start3A_253 = tpu.memref_squeeze %dma_start3A_252 : memref<1x1x128xi32, #tpu.memory_space<hbm>> -> memref<128xi32, #tpu.memory_space<hbm>>
      tpu.enqueue_dma source(%dma_start3A_253 : memref<128xi32, #tpu.memory_space<hbm>>) target(%arg12 : memref<128xi32, #tpu.memory_space<vmem>>) target_semaphore(%arg19 : memref<!tpu.dma_semaphore, #tpu.memory_space<semaphore_mem>>)
      %mul3A_254 = arith.constant 4 : i32
      %mul3A_255 = arith.muli %scan3A_102, %mul3A_254 : i32
      %add3A_256 = arith.constant 3 : i32
      %add3A_257 = arith.addi %mul3A_255, %add3A_256 : i32
      %dma_wait3A_258 = arith.constant 0 : i32
      %dma_wait3A_259 = arith.constant 0 : i32
      %dma_wait3A_260 = tpu.memref_slice %arg3[%arg0, %arg1, %dma_wait3A_258, %dma_wait3A_259] : memref<2x16x160x128xi32, #tpu.memory_space<hbm>> -> memref<1x1x1x128xi32, #tpu.memory_space<hbm>>
      %dma_wait3A_261 = tpu.memref_squeeze %dma_wait3A_260 : memref<1x1x1x128xi32, #tpu.memory_space<hbm>> -> memref<128xi32, #tpu.memory_space<hbm>>
      %dma_wait3A_262 = arith.constant 0 : i32
      %dma_wait3A_263 = tpu.memref_slice %arg3[%arg0, %arg1, %dma_wait3A_258, %dma_wait3A_262] : memref<2x16x160x128xi32, #tpu.memory_space<hbm>> -> memref<1x1x1x128xi32, #tpu.memory_space<hbm>>
      %dma_wait3A_264 = tpu.memref_squeeze %dma_wait3A_263 : memref<1x1x1x128xi32, #tpu.memory_space<hbm>> -> memref<128xi32, #tpu.memory_space<hbm>>
      tpu.wait_dma2 semaphore(%arg18 : memref<!tpu.dma_semaphore, #tpu.memory_space<semaphore_mem>>) src(%dma_wait3A_264 : memref<128xi32, #tpu.memory_space<hbm>>) dst(%arg7 : memref<128xi32, #tpu.memory_space<vmem>>)
      %dma_wait3A_265 = arith.constant 0 : i32
      %dma_wait3A_266 = arith.constant 0 : i32
      %dma_wait3A_267 = tpu.memref_slice %arg4[%arg1, %dma_wait3A_265, %dma_wait3A_266] : memref<16x160x128xi32, #tpu.memory_space<hbm>> -> memref<1x1x128xi32, #tpu.memory_space<hbm>>
      %dma_wait3A_268 = tpu.memref_squeeze %dma_wait3A_267 : memref<1x1x128xi32, #tpu.memory_space<hbm>> -> memref<128xi32, #tpu.memory_space<hbm>>
      %dma_wait3A_269 = arith.constant 0 : i32
      %dma_wait3A_270 = tpu.memref_slice %arg4[%arg1, %dma_wait3A_265, %dma_wait3A_269] : memref<16x160x128xi32, #tpu.memory_space<hbm>> -> memref<1x1x128xi32, #tpu.memory_space<hbm>>
      %dma_wait3A_271 = tpu.memref_squeeze %dma_wait3A_270 : memref<1x1x128xi32, #tpu.memory_space<hbm>> -> memref<128xi32, #tpu.memory_space<hbm>>
      tpu.wait_dma2 semaphore(%arg18 : memref<!tpu.dma_semaphore, #tpu.memory_space<semaphore_mem>>) src(%dma_wait3A_271 : memref<128xi32, #tpu.memory_space<hbm>>) dst(%arg11 : memref<128xi32, #tpu.memory_space<vmem>>)
      %dma_wait3A_272 = arith.constant 0 : i32
      %dma_wait3A_273 = arith.constant 0 : i32
      %dma_wait3A_274 = tpu.memref_slice %arg2[%dma_wait3A_272, %dma_wait3A_273] : memref<20000x128xf32, #tpu.memory_space<hbm>> -> memref<20000x128xf32, #tpu.memory_space<hbm>>
      tpu.wait_indirect_dma semaphore(%arg23 : memref<!tpu.dma_semaphore, #tpu.memory_space<semaphore_mem>>) src(%dma_wait3A_274 : memref<20000x128xf32, #tpu.memory_space<hbm>>) dst(%arg16 : memref<128x128xf32, #tpu.memory_space<vmem>>)
      %gt3A_275 = arith.constant 0 : i32
      %gt3A_276 = arith.cmpi sgt, %add3A_257, %gt3A_275 : i32
      %convert_element_type3A_277 = arith.extui %gt3A_276 : i1 to i32
      %cond3A_278 = arith.constant 0 : i32
      %cond3A_279 = arith.cmpi ne, %convert_element_type3A_277, %cond3A_278 : i32
      scf.if %cond3A_279 {
        %dma_wait3A_306 = arith.constant 0 : i32
        %dma_wait3A_307 = arith.constant 0 : i32
        %dma_wait3A_308 = tpu.memref_slice %arg17[%dma_wait3A_306, %dma_wait3A_307] : memref<10240x128xf32, #tpu.memory_space<vmem_shared>> -> memref<10240x128xf32, #tpu.memory_space<vmem_shared>>
        tpu.wait_indirect_dma semaphore(%arg24 : memref<!tpu.dma_semaphore, #tpu.memory_space<semaphore_mem>>) src(%arg15 : memref<128x128xf32, #tpu.memory_space<vmem>>) dst(%dma_wait3A_308 : memref<10240x128xf32, #tpu.memory_space<vmem_shared>>)
      } else {
      }
      %add3A_280 = arith.constant 1 : i32
      %add3A_281 = arith.addi %add3A_257, %add3A_280 : i32
      %min3A_282 = arith.constant 159 : i32
      %min3A_283 = arith.minsi %add3A_281, %min3A_282 : i32
      %dma_start3A_284 = arith.constant 0 : i32
      %dma_start3A_285 = arith.constant 0 : i32
      %dma_start3A_286 = tpu.memref_slice %arg2[%dma_start3A_284, %dma_start3A_285] : memref<20000x128xf32, #tpu.memory_space<hbm>> -> memref<20000x128xf32, #tpu.memory_space<hbm>>
      tpu.enqueue_indirect_dma source(%dma_start3A_286 : memref<20000x128xf32, #tpu.memory_space<hbm>>) target(%arg15 : memref<128x128xf32, #tpu.memory_space<vmem>>) offsets(%arg7 : memref<128xi32, #tpu.memory_space<vmem>>) semaphore(%arg22 : memref<!tpu.dma_semaphore, #tpu.memory_space<semaphore_mem>>)
      %dma_start3A_287 = arith.constant 0 : i32
      %dma_start3A_288 = arith.constant 0 : i32
      %dma_start3A_289 = tpu.memref_slice %arg17[%dma_start3A_287, %dma_start3A_288] : memref<10240x128xf32, #tpu.memory_space<vmem_shared>> -> memref<10240x128xf32, #tpu.memory_space<vmem_shared>>
      tpu.enqueue_indirect_dma source(%arg16 : memref<128x128xf32, #tpu.memory_space<vmem>>) target(%dma_start3A_289 : memref<10240x128xf32, #tpu.memory_space<vmem_shared>>) offsets(%arg14 : memref<128xi32, #tpu.memory_space<vmem>>) semaphore(%arg25 : memref<!tpu.dma_semaphore, #tpu.memory_space<semaphore_mem>>) {add = true}
      %add3A_290 = arith.constant 3 : i32
      %add3A_291 = arith.addi %add3A_257, %add3A_290 : i32
      %min3A_292 = arith.constant 159 : i32
      %min3A_293 = arith.minsi %add3A_291, %min3A_292 : i32
      %dma_start3A_294 = arith.constant 0 : i32
      %dma_start3A_295 = tpu.memref_slice %arg3[%arg0, %arg1, %min3A_293, %dma_start3A_294] : memref<2x16x160x128xi32, #tpu.memory_space<hbm>> -> memref<1x1x1x128xi32, #tpu.memory_space<hbm>>
      %dma_start3A_296 = tpu.memref_squeeze %dma_start3A_295 : memref<1x1x1x128xi32, #tpu.memory_space<hbm>> -> memref<128xi32, #tpu.memory_space<hbm>>
      %dma_start3A_297 = arith.constant 0 : i32
      %dma_start3A_298 = tpu.memref_slice %arg3[%arg0, %arg1, %min3A_293, %dma_start3A_297] : memref<2x16x160x128xi32, #tpu.memory_space<hbm>> -> memref<1x1x1x128xi32, #tpu.memory_space<hbm>>
      %dma_start3A_299 = tpu.memref_squeeze %dma_start3A_298 : memref<1x1x1x128xi32, #tpu.memory_space<hbm>> -> memref<128xi32, #tpu.memory_space<hbm>>
      tpu.enqueue_dma source(%dma_start3A_299 : memref<128xi32, #tpu.memory_space<hbm>>) target(%arg9 : memref<128xi32, #tpu.memory_space<vmem>>) target_semaphore(%arg20 : memref<!tpu.dma_semaphore, #tpu.memory_space<semaphore_mem>>)
      %dma_start3A_300 = arith.constant 0 : i32
      %dma_start3A_301 = tpu.memref_slice %arg4[%arg1, %min3A_293, %dma_start3A_300] : memref<16x160x128xi32, #tpu.memory_space<hbm>> -> memref<1x1x128xi32, #tpu.memory_space<hbm>>
      %dma_start3A_302 = tpu.memref_squeeze %dma_start3A_301 : memref<1x1x128xi32, #tpu.memory_space<hbm>> -> memref<128xi32, #tpu.memory_space<hbm>>
      %dma_start3A_303 = arith.constant 0 : i32
      %dma_start3A_304 = tpu.memref_slice %arg4[%arg1, %min3A_293, %dma_start3A_303] : memref<16x160x128xi32, #tpu.memory_space<hbm>> -> memref<1x1x128xi32, #tpu.memory_space<hbm>>
      %dma_start3A_305 = tpu.memref_squeeze %dma_start3A_304 : memref<1x1x128xi32, #tpu.memory_space<hbm>> -> memref<128xi32, #tpu.memory_space<hbm>>
      tpu.enqueue_dma source(%dma_start3A_305 : memref<128xi32, #tpu.memory_space<hbm>>) target(%arg13 : memref<128xi32, #tpu.memory_space<vmem>>) target_semaphore(%arg20 : memref<!tpu.dma_semaphore, #tpu.memory_space<semaphore_mem>>)
    }
    %scan3A_62 = arith.constant 40 : i32
    %dma_wait3A_63 = arith.constant 0 : i32
    %dma_wait3A_64 = arith.constant 0 : i32
    %dma_wait3A_65 = tpu.memref_slice %arg2[%dma_wait3A_63, %dma_wait3A_64] : memref<20000x128xf32, #tpu.memory_space<hbm>> -> memref<20000x128xf32, #tpu.memory_space<hbm>>
    tpu.wait_indirect_dma semaphore(%arg22 : memref<!tpu.dma_semaphore, #tpu.memory_space<semaphore_mem>>) src(%dma_wait3A_65 : memref<20000x128xf32, #tpu.memory_space<hbm>>) dst(%arg15 : memref<128x128xf32, #tpu.memory_space<vmem>>)
    %dma_wait3A_66 = arith.constant 0 : i32
    %dma_wait3A_67 = arith.constant 0 : i32
    %dma_wait3A_68 = tpu.memref_slice %arg17[%dma_wait3A_66, %dma_wait3A_67] : memref<10240x128xf32, #tpu.memory_space<vmem_shared>> -> memref<10240x128xf32, #tpu.memory_space<vmem_shared>>
    tpu.wait_indirect_dma semaphore(%arg25 : memref<!tpu.dma_semaphore, #tpu.memory_space<semaphore_mem>>) src(%arg16 : memref<128x128xf32, #tpu.memory_space<vmem>>) dst(%dma_wait3A_68 : memref<10240x128xf32, #tpu.memory_space<vmem_shared>>)
    %dma_wait3A_69 = arith.constant 0 : i32
    %dma_wait3A_70 = arith.constant 0 : i32
    %dma_wait3A_71 = tpu.memref_slice %arg3[%arg0, %arg1, %dma_wait3A_69, %dma_wait3A_70] : memref<2x16x160x128xi32, #tpu.memory_space<hbm>> -> memref<1x1x1x128xi32, #tpu.memory_space<hbm>>
    %dma_wait3A_72 = tpu.memref_squeeze %dma_wait3A_71 : memref<1x1x1x128xi32, #tpu.memory_space<hbm>> -> memref<128xi32, #tpu.memory_space<hbm>>
    %dma_wait3A_73 = arith.constant 0 : i32
    %dma_wait3A_74 = tpu.memref_slice %arg3[%arg0, %arg1, %dma_wait3A_69, %dma_wait3A_73] : memref<2x16x160x128xi32, #tpu.memory_space<hbm>> -> memref<1x1x1x128xi32, #tpu.memory_space<hbm>>
    %dma_wait3A_75 = tpu.memref_squeeze %dma_wait3A_74 : memref<1x1x1x128xi32, #tpu.memory_space<hbm>> -> memref<128xi32, #tpu.memory_space<hbm>>
    tpu.wait_dma2 semaphore(%arg19 : memref<!tpu.dma_semaphore, #tpu.memory_space<semaphore_mem>>) src(%dma_wait3A_75 : memref<128xi32, #tpu.memory_space<hbm>>) dst(%arg8 : memref<128xi32, #tpu.memory_space<vmem>>)
    %dma_wait3A_76 = arith.constant 0 : i32
    %dma_wait3A_77 = arith.constant 0 : i32
    %dma_wait3A_78 = tpu.memref_slice %arg4[%arg1, %dma_wait3A_76, %dma_wait3A_77] : memref<16x160x128xi32, #tpu.memory_space<hbm>> -> memref<1x1x128xi32, #tpu.memory_space<hbm>>
    %dma_wait3A_79 = tpu.memref_squeeze %dma_wait3A_78 : memref<1x1x128xi32, #tpu.memory_space<hbm>> -> memref<128xi32, #tpu.memory_space<hbm>>
    %dma_wait3A_80 = arith.constant 0 : i32
    %dma_wait3A_81 = tpu.memref_slice %arg4[%arg1, %dma_wait3A_76, %dma_wait3A_80] : memref<16x160x128xi32, #tpu.memory_space<hbm>> -> memref<1x1x128xi32, #tpu.memory_space<hbm>>
    %dma_wait3A_82 = tpu.memref_squeeze %dma_wait3A_81 : memref<1x1x128xi32, #tpu.memory_space<hbm>> -> memref<128xi32, #tpu.memory_space<hbm>>
    tpu.wait_dma2 semaphore(%arg19 : memref<!tpu.dma_semaphore, #tpu.memory_space<semaphore_mem>>) src(%dma_wait3A_82 : memref<128xi32, #tpu.memory_space<hbm>>) dst(%arg12 : memref<128xi32, #tpu.memory_space<vmem>>)
    %dma_wait3A_83 = arith.constant 0 : i32
    %dma_wait3A_84 = arith.constant 0 : i32
    %dma_wait3A_85 = tpu.memref_slice %arg3[%arg0, %arg1, %dma_wait3A_83, %dma_wait3A_84] : memref<2x16x160x128xi32, #tpu.memory_space<hbm>> -> memref<1x1x1x128xi32, #tpu.memory_space<hbm>>
    %dma_wait3A_86 = tpu.memref_squeeze %dma_wait3A_85 : memref<1x1x1x128xi32, #tpu.memory_space<hbm>> -> memref<128xi32, #tpu.memory_space<hbm>>
    %dma_wait3A_87 = arith.constant 0 : i32
    %dma_wait3A_88 = tpu.memref_slice %arg3[%arg0, %arg1, %dma_wait3A_83, %dma_wait3A_87] : memref<2x16x160x128xi32, #tpu.memory_space<hbm>> -> memref<1x1x1x128xi32, #tpu.memory_space<hbm>>
    %dma_wait3A_89 = tpu.memref_squeeze %dma_wait3A_88 : memref<1x1x1x128xi32, #tpu.memory_space<hbm>> -> memref<128xi32, #tpu.memory_space<hbm>>
    tpu.wait_dma2 semaphore(%arg20 : memref<!tpu.dma_semaphore, #tpu.memory_space<semaphore_mem>>) src(%dma_wait3A_89 : memref<128xi32, #tpu.memory_space<hbm>>) dst(%arg9 : memref<128xi32, #tpu.memory_space<vmem>>)
    %dma_wait3A_90 = arith.constant 0 : i32
    %dma_wait3A_91 = arith.constant 0 : i32
    %dma_wait3A_92 = tpu.memref_slice %arg4[%arg1, %dma_wait3A_90, %dma_wait3A_91] : memref<16x160x128xi32, #tpu.memory_space<hbm>> -> memref<1x1x128xi32, #tpu.memory_space<hbm>>
    %dma_wait3A_93 = tpu.memref_squeeze %dma_wait3A_92 : memref<1x1x128xi32, #tpu.memory_space<hbm>> -> memref<128xi32, #tpu.memory_space<hbm>>
    %dma_wait3A_94 = arith.constant 0 : i32
    %dma_wait3A_95 = tpu.memref_slice %arg4[%arg1, %dma_wait3A_90, %dma_wait3A_94] : memref<16x160x128xi32, #tpu.memory_space<hbm>> -> memref<1x1x128xi32, #tpu.memory_space<hbm>>
    %dma_wait3A_96 = tpu.memref_squeeze %dma_wait3A_95 : memref<1x1x128xi32, #tpu.memory_space<hbm>> -> memref<128xi32, #tpu.memory_space<hbm>>
    tpu.wait_dma2 semaphore(%arg20 : memref<!tpu.dma_semaphore, #tpu.memory_space<semaphore_mem>>) src(%dma_wait3A_96 : memref<128xi32, #tpu.memory_space<hbm>>) dst(%arg13 : memref<128xi32, #tpu.memory_space<vmem>>)
    %barrier3A_97 = arith.constant 0 : index
    tpu.barrier barrier_id(%barrier3A_97)
    %mul3A_98 = arith.constant 640 : i32
    %mul3A_99 = arith.muli %arg1, %mul3A_98 : i32
    %mul3A_100 = arith.constant 640 : i32
    %mul3A_101 = arith.muli %arg1, %mul3A_100 : i32
    "tpu.region"() ({
      %run_scoped3A = tpu.sem_alloc : memref<!tpu.dma_semaphore, #tpu.memory_space<semaphore_mem>>
      %dma_start3A_102 = arith.constant 0 : i32
      %dma_start3A_103 = tpu.memref_slice %arg6[%arg0, %mul3A_101, %dma_start3A_102] : memref<2x10240x128xf32, #tpu.memory_space<hbm>> -> memref<1x640x128xf32, #tpu.memory_space<hbm>>
      %dma_start3A_104 = tpu.memref_squeeze %dma_start3A_103 : memref<1x640x128xf32, #tpu.memory_space<hbm>> -> memref<640x128xf32, #tpu.memory_space<hbm>>
      %dma_start3A_105 = arith.constant 0 : i32
      %dma_start3A_106 = tpu.memref_slice %arg17[%mul3A_99, %dma_start3A_105] : memref<10240x128xf32, #tpu.memory_space<vmem_shared>> -> memref<640x128xf32, #tpu.memory_space<vmem_shared>>
      tpu.enqueue_dma source(%dma_start3A_106 : memref<640x128xf32, #tpu.memory_space<vmem_shared>>) target(%dma_start3A_104 : memref<640x128xf32, #tpu.memory_space<hbm>>) target_semaphore(%run_scoped3A : memref<!tpu.dma_semaphore, #tpu.memory_space<semaphore_mem>>)
      %dma_wait3A_107 = arith.constant 0 : i32
      %dma_wait3A_108 = tpu.memref_slice %arg6[%arg0, %mul3A_101, %dma_wait3A_107] : memref<2x10240x128xf32, #tpu.memory_space<hbm>> -> memref<1x640x128xf32, #tpu.memory_space<hbm>>
      %dma_wait3A_109 = tpu.memref_squeeze %dma_wait3A_108 : memref<1x640x128xf32, #tpu.memory_space<hbm>> -> memref<640x128xf32, #tpu.memory_space<hbm>>
      %dma_wait3A_110 = arith.constant 0 : i32
      %dma_wait3A_111 = tpu.memref_slice %arg17[%mul3A_99, %dma_wait3A_110] : memref<10240x128xf32, #tpu.memory_space<vmem_shared>> -> memref<640x128xf32, #tpu.memory_space<vmem_shared>>
      tpu.wait_dma2 semaphore(%run_scoped3A : memref<!tpu.dma_semaphore, #tpu.memory_space<semaphore_mem>>) src(%dma_wait3A_111 : memref<640x128xf32, #tpu.memory_space<vmem_shared>>) dst(%dma_wait3A_109 : memref<640x128xf32, #tpu.memory_space<hbm>>)
      tpu.yield
    }) : () -> ()
    return
  }
}

module attributes {stable_mosaic.version = 14 : i64} {
  func.func @_dense_body(%arg0: i32, %arg1: memref<1024x256xbf16, #tpu.memory_space<vmem>>, %arg2: memref<1024x8xf32, #tpu.memory_space<vmem>>, %arg3: memref<256x2048xf32, #tpu.memory_space<vmem>>, %arg4: memref<256x256xf32, #tpu.memory_space<vmem>>, %arg5: memref<1024x2xf32, #tpu.memory_space<vmem>>, %arg6: memref<2x1024x128xf32, #tpu.memory_space<vmem>>) attributes {dimension_semantics = [#tpu.dimension_semantics<arbitrary>], iteration_bounds = array<i64: 10>, scalar_prefetch = 0 : i64, scratch_operands = 0 : i64, tpu.core_type = #tpu.core_type<tc>, window_params = [{transform_indices = @transform_0, window_bounds = array<i64: 1024, 256>}, {transform_indices = @transform_1, window_bounds = array<i64: 1024, 8>}, {pipeline_mode = #tpu.pipeline_mode<synchronous>, transform_indices = @transform_2, window_bounds = array<i64: 256, 2048>}, {pipeline_mode = #tpu.pipeline_mode<synchronous>, transform_indices = @transform_3, window_bounds = array<i64: 256, 256>}, {transform_indices = @transform_4, window_bounds = array<i64: 1024, 2>}, {transform_indices = @transform_5, window_bounds = array<i64: 2, 1024, 128>}]} {
    %get3A = arith.constant 0 : index
    %get3A_0 = arith.constant 0 : index
    %get3A_1 = vector.load %arg1[%get3A, %get3A_0] : memref<1024x256xbf16, #tpu.memory_space<vmem>>, vector<1024x256xbf16>
    %get3A_2 = arith.constant 0 : index
    %get3A_3 = arith.constant 0 : index
    %get3A_4 = vector.load %arg3[%get3A_2, %get3A_3] : memref<256x2048xf32, #tpu.memory_space<vmem>>, vector<256x2048xf32>
    %dot_general3A = arith.constant dense<0.000000e+00> : vector<1024x2048xf32>
    %dot_general3A_5 = tpu.matmul %get3A_1, %get3A_4, %dot_general3A {dimension_numbers = #tpu.dot_dimension_numbers<[1], [0], [0], [1], [0, 0, 1, 1], [], []>, transpose_lhs_hint = false} : vector<1024x256xbf16>, vector<256x2048xf32>, vector<1024x2048xf32> -> vector<1024x2048xf32>
    %get3A_6 = arith.constant 0 : index
    %get3A_7 = arith.constant 0 : index
    %get3A_8 = vector.load %arg2[%get3A_6, %get3A_7] : memref<1024x8xf32, #tpu.memory_space<vmem>>, vector<1024x8xf32>
    %broadcast_in_dim3A = arith.constant 0.000000e+00 : f32
    %broadcast_in_dim3A_9 = vector.broadcast %broadcast_in_dim3A : f32 to vector<1024x256xf32>
    %slice3A = vector.extract_strided_slice %dot_general3A_5 {offsets = [0, 0], sizes = [1024, 256], strides = [1, 1]} : vector<1024x2048xf32> to vector<1024x256xf32>
    %slice3A_10 = vector.extract_strided_slice %get3A_8 {offsets = [0, 0], sizes = [1024, 1], strides = [1, 1]} : vector<1024x8xf32> to vector<1024x1xf32>
    %mul3A = vector.broadcast %slice3A_10 : vector<1024x1xf32> to vector<1024x256xf32>
    %mul3A_11 = arith.mulf %slice3A, %mul3A : vector<1024x256xf32>
    %add3A = arith.addf %broadcast_in_dim3A_9, %mul3A_11 : vector<1024x256xf32>
    %slice3A_12 = vector.extract_strided_slice %dot_general3A_5 {offsets = [0, 256], sizes = [1024, 256], strides = [1, 1]} : vector<1024x2048xf32> to vector<1024x256xf32>
    %slice3A_13 = vector.extract_strided_slice %get3A_8 {offsets = [0, 1], sizes = [1024, 1], strides = [1, 1]} : vector<1024x8xf32> to vector<1024x1xf32>
    %mul3A_14 = vector.broadcast %slice3A_13 : vector<1024x1xf32> to vector<1024x256xf32>
    %mul3A_15 = arith.mulf %slice3A_12, %mul3A_14 : vector<1024x256xf32>
    %add3A_16 = arith.addf %add3A, %mul3A_15 : vector<1024x256xf32>
    %slice3A_17 = vector.extract_strided_slice %dot_general3A_5 {offsets = [0, 512], sizes = [1024, 256], strides = [1, 1]} : vector<1024x2048xf32> to vector<1024x256xf32>
    %slice3A_18 = vector.extract_strided_slice %get3A_8 {offsets = [0, 2], sizes = [1024, 1], strides = [1, 1]} : vector<1024x8xf32> to vector<1024x1xf32>
    %mul3A_19 = vector.broadcast %slice3A_18 : vector<1024x1xf32> to vector<1024x256xf32>
    %mul3A_20 = arith.mulf %slice3A_17, %mul3A_19 : vector<1024x256xf32>
    %add3A_21 = arith.addf %add3A_16, %mul3A_20 : vector<1024x256xf32>
    %slice3A_22 = vector.extract_strided_slice %dot_general3A_5 {offsets = [0, 768], sizes = [1024, 256], strides = [1, 1]} : vector<1024x2048xf32> to vector<1024x256xf32>
    %slice3A_23 = vector.extract_strided_slice %get3A_8 {offsets = [0, 3], sizes = [1024, 1], strides = [1, 1]} : vector<1024x8xf32> to vector<1024x1xf32>
    %mul3A_24 = vector.broadcast %slice3A_23 : vector<1024x1xf32> to vector<1024x256xf32>
    %mul3A_25 = arith.mulf %slice3A_22, %mul3A_24 : vector<1024x256xf32>
    %add3A_26 = arith.addf %add3A_21, %mul3A_25 : vector<1024x256xf32>
    %slice3A_27 = vector.extract_strided_slice %dot_general3A_5 {offsets = [0, 1024], sizes = [1024, 256], strides = [1, 1]} : vector<1024x2048xf32> to vector<1024x256xf32>
    %slice3A_28 = vector.extract_strided_slice %get3A_8 {offsets = [0, 4], sizes = [1024, 1], strides = [1, 1]} : vector<1024x8xf32> to vector<1024x1xf32>
    %mul3A_29 = vector.broadcast %slice3A_28 : vector<1024x1xf32> to vector<1024x256xf32>
    %mul3A_30 = arith.mulf %slice3A_27, %mul3A_29 : vector<1024x256xf32>
    %add3A_31 = arith.addf %add3A_26, %mul3A_30 : vector<1024x256xf32>
    %slice3A_32 = vector.extract_strided_slice %dot_general3A_5 {offsets = [0, 1280], sizes = [1024, 256], strides = [1, 1]} : vector<1024x2048xf32> to vector<1024x256xf32>
    %slice3A_33 = vector.extract_strided_slice %get3A_8 {offsets = [0, 5], sizes = [1024, 1], strides = [1, 1]} : vector<1024x8xf32> to vector<1024x1xf32>
    %mul3A_34 = vector.broadcast %slice3A_33 : vector<1024x1xf32> to vector<1024x256xf32>
    %mul3A_35 = arith.mulf %slice3A_32, %mul3A_34 : vector<1024x256xf32>
    %add3A_36 = arith.addf %add3A_31, %mul3A_35 : vector<1024x256xf32>
    %slice3A_37 = vector.extract_strided_slice %dot_general3A_5 {offsets = [0, 1536], sizes = [1024, 256], strides = [1, 1]} : vector<1024x2048xf32> to vector<1024x256xf32>
    %slice3A_38 = vector.extract_strided_slice %get3A_8 {offsets = [0, 6], sizes = [1024, 1], strides = [1, 1]} : vector<1024x8xf32> to vector<1024x1xf32>
    %mul3A_39 = vector.broadcast %slice3A_38 : vector<1024x1xf32> to vector<1024x256xf32>
    %mul3A_40 = arith.mulf %slice3A_37, %mul3A_39 : vector<1024x256xf32>
    %add3A_41 = arith.addf %add3A_36, %mul3A_40 : vector<1024x256xf32>
    %slice3A_42 = vector.extract_strided_slice %dot_general3A_5 {offsets = [0, 1792], sizes = [1024, 256], strides = [1, 1]} : vector<1024x2048xf32> to vector<1024x256xf32>
    %slice3A_43 = vector.extract_strided_slice %get3A_8 {offsets = [0, 7], sizes = [1024, 1], strides = [1, 1]} : vector<1024x8xf32> to vector<1024x1xf32>
    %mul3A_44 = vector.broadcast %slice3A_43 : vector<1024x1xf32> to vector<1024x256xf32>
    %mul3A_45 = arith.mulf %slice3A_42, %mul3A_44 : vector<1024x256xf32>
    %add3A_46 = arith.addf %add3A_41, %mul3A_45 : vector<1024x256xf32>
    %convert_element_type3A = arith.truncf %add3A_46 : vector<1024x256xf32> to vector<1024x256xbf16>
    %get3A_47 = arith.constant 0 : index
    %get3A_48 = arith.constant 0 : index
    %get3A_49 = vector.load %arg4[%get3A_47, %get3A_48] : memref<256x256xf32, #tpu.memory_space<vmem>>, vector<256x256xf32>
    %dot_general3A_50 = arith.constant dense<0.000000e+00> : vector<1024x256xf32>
    %dot_general3A_51 = tpu.matmul %convert_element_type3A, %get3A_49, %dot_general3A_50 {dimension_numbers = #tpu.dot_dimension_numbers<[1], [0], [0], [1], [0, 0, 1, 1], [], []>, transpose_lhs_hint = false} : vector<1024x256xbf16>, vector<256x256xf32>, vector<1024x256xf32> -> vector<1024x256xf32>
    %get3A_52 = arith.constant 0 : index
    %get3A_53 = arith.constant 0 : index
    %get3A_54 = vector.load %arg5[%get3A_52, %get3A_53] : memref<1024x2xf32, #tpu.memory_space<vmem>>, vector<1024x1xf32>
    %get3A_55 = vector.shape_cast %get3A_54 : vector<1024x1xf32> to vector<1024xf32>
    %get3A_56 = arith.constant 0 : index
    %get3A_57 = arith.constant 1 : index
    %get3A_58 = vector.load %arg5[%get3A_56, %get3A_57] : memref<1024x2xf32, #tpu.memory_space<vmem>>, vector<1024x1xf32>
    %get3A_59 = vector.shape_cast %get3A_58 : vector<1024x1xf32> to vector<1024xf32>
    %add3A_60 = arith.addf %get3A_55, %get3A_59 : vector<1024xf32>
    %add3A_61 = arith.constant 1.000000e+00 : f32
    %add3A_62 = vector.broadcast %add3A_61 : f32 to vector<1024xf32>
    %add3A_63 = arith.addf %add3A_60, %add3A_62 : vector<1024xf32>
    %rsqrt3A = math.rsqrt %add3A_63 : vector<1024xf32>
    %broadcast_in_dim3A_64 = vector.shape_cast %rsqrt3A : vector<1024xf32> to vector<1024x1xf32>
    %mul3A_65 = vector.broadcast %broadcast_in_dim3A_64 : vector<1024x1xf32> to vector<1024x256xf32>
    %mul3A_66 = arith.mulf %dot_general3A_51, %mul3A_65 : vector<1024x256xf32>
    %slice3A_67 = vector.extract_strided_slice %mul3A_66 {offsets = [0, 0], sizes = [1024, 128], strides = [1, 1]} : vector<1024x256xf32> to vector<1024x128xf32>
    %swap3A = arith.constant 0 : index
    %swap3A_68 = arith.constant 0 : index
    %swap3A_69 = arith.constant 0 : index
    %swap3A_70 = vector.load %arg6[%swap3A, %swap3A_68, %swap3A_69] : memref<2x1024x128xf32, #tpu.memory_space<vmem>>, vector<1x1024x128xf32>
    %swap3A_71 = vector.shape_cast %swap3A_70 : vector<1x1024x128xf32> to vector<1024x128xf32>
    %swap3A_72 = vector.shape_cast %slice3A_67 : vector<1024x128xf32> to vector<1x1024x128xf32>
    tpu.vector_store %arg6[%swap3A, %swap3A_68, %swap3A_69], %swap3A_72 {strides = array<i32>} : memref<2x1024x128xf32, #tpu.memory_space<vmem>>, vector<1x1024x128xf32>,
    %slice3A_73 = vector.extract_strided_slice %mul3A_66 {offsets = [0, 128], sizes = [1024, 128], strides = [1, 1]} : vector<1024x256xf32> to vector<1024x128xf32>
    %swap3A_74 = arith.constant 1 : index
    %swap3A_75 = arith.constant 0 : index
    %swap3A_76 = arith.constant 0 : index
    %swap3A_77 = vector.load %arg6[%swap3A_74, %swap3A_75, %swap3A_76] : memref<2x1024x128xf32, #tpu.memory_space<vmem>>, vector<1x1024x128xf32>
    %swap3A_78 = vector.shape_cast %swap3A_77 : vector<1x1024x128xf32> to vector<1024x128xf32>
    %swap3A_79 = vector.shape_cast %slice3A_73 : vector<1024x128xf32> to vector<1x1024x128xf32>
    tpu.vector_store %arg6[%swap3A_74, %swap3A_75, %swap3A_76], %swap3A_79 {strides = array<i32>} : memref<2x1024x128xf32, #tpu.memory_space<vmem>>, vector<1x1024x128xf32>,
    return
  }
  func.func @transform_0(%arg0: i32) -> (i32, i32) {
    %c0_i32 = arith.constant 0 : i32
    %c0_i32_0 = arith.constant 0 : i32
    return %arg0, %c0_i32 : i32, i32
  }
  func.func @transform_1(%arg0: i32) -> (i32, i32) {
    %c0_i32 = arith.constant 0 : i32
    %c0_i32_0 = arith.constant 0 : i32
    return %arg0, %c0_i32 : i32, i32
  }
  func.func @transform_2(%arg0: i32) -> (i32, i32) {
    %c0_i32 = arith.constant 0 : i32
    %c0_i32_0 = arith.constant 0 : i32
    %c0_i32_1 = arith.constant 0 : i32
    return %c0_i32, %c0_i32_0 : i32, i32
  }
  func.func @transform_3(%arg0: i32) -> (i32, i32) {
    %c0_i32 = arith.constant 0 : i32
    %c0_i32_0 = arith.constant 0 : i32
    %c0_i32_1 = arith.constant 0 : i32
    return %c0_i32, %c0_i32_0 : i32, i32
  }
  func.func @transform_4(%arg0: i32) -> (i32, i32) {
    %c0_i32 = arith.constant 0 : i32
    %c0_i32_0 = arith.constant 0 : i32
    return %arg0, %c0_i32 : i32, i32
  }
  func.func @transform_5(%arg0: i32) -> (i32, i32, i32) {
    %c0_i32 = arith.constant 0 : i32
    %c0_i32_0 = arith.constant 0 : i32
    %c0_i32_1 = arith.constant 0 : i32
    return %c0_i32, %arg0, %c0_i32_0 : i32, i32, i32
  }
}

module attributes {stable_mosaic.version = 14 : i64} {
  func.func @_final_body(%arg0: i32, %arg1: memref<2x1024x128xf32, #tpu.memory_space<vmem>>, %arg2: memref<2x1024x128xf32, #tpu.memory_space<vmem>>, %arg3: memref<1024x2xf32, #tpu.memory_space<vmem>>, %arg4: memref<1x256xf32, #tpu.memory_space<vmem>>, %arg5: memref<1024x256xf32, #tpu.memory_space<vmem>>) attributes {dimension_semantics = [#tpu.dimension_semantics<arbitrary>], iteration_bounds = array<i64: 10>, scalar_prefetch = 0 : i64, scratch_operands = 0 : i64, tpu.core_type = #tpu.core_type<tc>, window_params = [{transform_indices = @transform_0, window_bounds = array<i64: 2, 1024, 128>}, {transform_indices = @transform_1, window_bounds = array<i64: 2, 1024, 128>}, {transform_indices = @transform_2, window_bounds = array<i64: 1024, 2>}, {pipeline_mode = #tpu.pipeline_mode<synchronous>, transform_indices = @transform_3, window_bounds = array<i64: 1, 256>}, {transform_indices = @transform_4, window_bounds = array<i64: 1024, 256>}]} {
    %get3A = arith.constant 0 : index
    %get3A_0 = arith.constant 0 : index
    %get3A_1 = vector.load %arg3[%get3A, %get3A_0] : memref<1024x2xf32, #tpu.memory_space<vmem>>, vector<1024x1xf32>
    %get3A_2 = vector.shape_cast %get3A_1 : vector<1024x1xf32> to vector<1024xf32>
    %get3A_3 = arith.constant 0 : index
    %get3A_4 = arith.constant 1 : index
    %get3A_5 = vector.load %arg3[%get3A_3, %get3A_4] : memref<1024x2xf32, #tpu.memory_space<vmem>>, vector<1024x1xf32>
    %get3A_6 = vector.shape_cast %get3A_5 : vector<1024x1xf32> to vector<1024xf32>
    %add3A = arith.addf %get3A_2, %get3A_6 : vector<1024xf32>
    %add3A_7 = arith.constant 1.000000e+00 : f32
    %add3A_8 = vector.broadcast %add3A_7 : f32 to vector<1024xf32>
    %add3A_9 = arith.addf %add3A, %add3A_8 : vector<1024xf32>
    %rsqrt3A = math.rsqrt %add3A_9 : vector<1024xf32>
    %broadcast_in_dim3A = vector.shape_cast %rsqrt3A : vector<1024xf32> to vector<1024x1xf32>
    %get3A_10 = arith.constant 0 : index
    %get3A_11 = arith.constant 0 : index
    %get3A_12 = vector.load %arg4[%get3A_10, %get3A_11] : memref<1x256xf32, #tpu.memory_space<vmem>>, vector<1x256xf32>
    %get3A_13 = arith.constant 0 : index
    %get3A_14 = arith.constant 0 : index
    %get3A_15 = arith.constant 0 : index
    %get3A_16 = vector.load %arg1[%get3A_13, %get3A_14, %get3A_15] : memref<2x1024x128xf32, #tpu.memory_space<vmem>>, vector<1x1024x128xf32>
    %get3A_17 = vector.shape_cast %get3A_16 : vector<1x1024x128xf32> to vector<1024x128xf32>
    %get3A_18 = arith.constant 0 : index
    %get3A_19 = arith.constant 0 : index
    %get3A_20 = arith.constant 0 : index
    %get3A_21 = vector.load %arg2[%get3A_18, %get3A_19, %get3A_20] : memref<2x1024x128xf32, #tpu.memory_space<vmem>>, vector<1x1024x128xf32>
    %get3A_22 = vector.shape_cast %get3A_21 : vector<1x1024x128xf32> to vector<1024x128xf32>
    %add3A_23 = arith.addf %get3A_17, %get3A_22 : vector<1024x128xf32>
    %mul3A = vector.broadcast %broadcast_in_dim3A : vector<1024x1xf32> to vector<1024x128xf32>
    %mul3A_24 = arith.mulf %add3A_23, %mul3A : vector<1024x128xf32>
    %slice3A = vector.extract_strided_slice %get3A_12 {offsets = [0, 0], sizes = [1, 128], strides = [1, 1]} : vector<1x256xf32> to vector<1x128xf32>
    %add3A_25 = vector.broadcast %slice3A : vector<1x128xf32> to vector<1024x128xf32>
    %add3A_26 = arith.addf %mul3A_24, %add3A_25 : vector<1024x128xf32>
    %swap3A = arith.constant 0 : index
    %swap3A_27 = arith.constant 0 : index
    %swap3A_28 = vector.load %arg5[%swap3A, %swap3A_27] : memref<1024x256xf32, #tpu.memory_space<vmem>>, vector<1024x128xf32>
    tpu.vector_store %arg5[%swap3A, %swap3A_27], %add3A_26 {strides = array<i32>} : memref<1024x256xf32, #tpu.memory_space<vmem>>, vector<1024x128xf32>,
    %get3A_29 = arith.constant 1 : index
    %get3A_30 = arith.constant 0 : index
    %get3A_31 = arith.constant 0 : index
    %get3A_32 = vector.load %arg1[%get3A_29, %get3A_30, %get3A_31] : memref<2x1024x128xf32, #tpu.memory_space<vmem>>, vector<1x1024x128xf32>
    %get3A_33 = vector.shape_cast %get3A_32 : vector<1x1024x128xf32> to vector<1024x128xf32>
    %get3A_34 = arith.constant 1 : index
    %get3A_35 = arith.constant 0 : index
    %get3A_36 = arith.constant 0 : index
    %get3A_37 = vector.load %arg2[%get3A_34, %get3A_35, %get3A_36] : memref<2x1024x128xf32, #tpu.memory_space<vmem>>, vector<1x1024x128xf32>
    %get3A_38 = vector.shape_cast %get3A_37 : vector<1x1024x128xf32> to vector<1024x128xf32>
    %add3A_39 = arith.addf %get3A_33, %get3A_38 : vector<1024x128xf32>
    %mul3A_40 = vector.broadcast %broadcast_in_dim3A : vector<1024x1xf32> to vector<1024x128xf32>
    %mul3A_41 = arith.mulf %add3A_39, %mul3A_40 : vector<1024x128xf32>
    %slice3A_42 = vector.extract_strided_slice %get3A_12 {offsets = [0, 128], sizes = [1, 128], strides = [1, 1]} : vector<1x256xf32> to vector<1x128xf32>
    %add3A_43 = vector.broadcast %slice3A_42 : vector<1x128xf32> to vector<1024x128xf32>
    %add3A_44 = arith.addf %mul3A_41, %add3A_43 : vector<1024x128xf32>
    %swap3A_45 = arith.constant 0 : index
    %swap3A_46 = arith.constant 128 : index
    %swap3A_47 = vector.load %arg5[%swap3A_45, %swap3A_46] : memref<1024x256xf32, #tpu.memory_space<vmem>>, vector<1024x128xf32>
    tpu.vector_store %arg5[%swap3A_45, %swap3A_46], %add3A_44 {strides = array<i32>} : memref<1024x256xf32, #tpu.memory_space<vmem>>, vector<1024x128xf32>,
    return
  }
  func.func @transform_0(%arg0: i32) -> (i32, i32, i32) {
    %c0_i32 = arith.constant 0 : i32
    %c0_i32_0 = arith.constant 0 : i32
    %c0_i32_1 = arith.constant 0 : i32
    return %c0_i32, %arg0, %c0_i32_0 : i32, i32, i32
  }
  func.func @transform_1(%arg0: i32) -> (i32, i32, i32) {
    %c0_i32 = arith.constant 0 : i32
    %c0_i32_0 = arith.constant 0 : i32
    %c0_i32_1 = arith.constant 0 : i32
    return %c0_i32, %arg0, %c0_i32_0 : i32, i32, i32
  }
  func.func @transform_2(%arg0: i32) -> (i32, i32) {
    %c0_i32 = arith.constant 0 : i32
    %c0_i32_0 = arith.constant 0 : i32
    return %arg0, %c0_i32 : i32, i32
  }
  func.func @transform_3(%arg0: i32) -> (i32, i32) {
    %c0_i32 = arith.constant 0 : i32
    %c0_i32_0 = arith.constant 0 : i32
    %c0_i32_1 = arith.constant 0 : i32
    return %c0_i32, %c0_i32_0 : i32, i32
  }
  func.func @transform_4(%arg0: i32) -> (i32, i32) {
    %c0_i32 = arith.constant 0 : i32
    %c0_i32_0 = arith.constant 0 : i32
    return %arg0, %c0_i32 : i32, i32
  }
}

</mosaic_0001>

<sc_bundles>
// kernel: kernel.6.cloned.1.call-start
scs
__scs_entry_jumppad:
0x0: {  	(pc) =	sbr.rel $0x88, $3  }
0x1: {  	(tag) =	ssettag $0x0;
	lr =	simm.s32 $0x1  }
0x2: {  	[smem:$0x3F9B] =	sst lr;
	_ =	strace $0xD0000000  }
0x3: {  	_ = 	snop  }
0x4: {  	_ = 	snop  }
0x5: {  	_ = 	snop  }
0x6: {  	_ = 	snop  }
0x7: {  	_ = 	snop  }
__scs_overlays_trampoline_lowered:
0x8: {  	[smem:$0x3FAA] =	sst s0  }
0x9: {  	[smem:$0x3FAB] =	sst s1  }
0xa: {  	[smem:$0x3FAC] =	sst s2  }
0xb: {  	[smem:$0x3FAD] =	sst s3  }
0xc: {  	[smem:$0x3FAE] =	sst s4  }
0xd: {  	[smem:$0x3FAF] =	sst s5  }
0xe: {  	[smem:$0x3FB0] =	sst s6  }
0xf: {  	[smem:$0x3FB1] =	sst s7  }
0x10: {  	[smem:$0x3FB2] =	sst s8  }
0x11: {  	[smem:$0x3FB3] =	sst s9;
	s0 =	simm.s32 @!p0 $0x0  }
0x12: {  	s1 =	sld [smem:$0x3F99];
	s0 =	simm.s32 @p0 $0x1  }
0x13: {  	[smem:$0x3FB4] =	sst s0;
	s0 =	simm.s32 @!p1 $0x0  }
0x14: {  	s2 =	sld [smem:$0x3F98];
	s0 =	simm.s32 @p1 $0x1  }
0x15: {  	[smem:$0x3FB5] =	sst s0;
	s0 =	simm.s32 @!p2 $0x0  }
0x16: {  	s3 =	sld [smem:$0x3FDB];
	s0 =	simm.s32 @p2 $0x1  }
0x17: {  	s4 =	simm.s32 $0x1BF5;
	[smem:$0x3FB7] =	sst s0  }
0x18: {  	s0 =	sld [smem:$0x3F9A];
	_ =	swait.ge [sflag:s4], $0x0  }
0x19: {  	s7 =	sld [smem:$0x3F9B]  }
0x1a: {  	s8 =	sadd.s32 $0xFFFFE003, lr  }
0x1b: {  	s9 =	sadd.s32 $0xFFFFFEF7, lr;
	s5 =	simm.s32 $0xFFFFFFFF;
	p2 =	slt.u32 s8, $0xFFFFF086  }
0x1c: {  	p1 =	slt.u32 s9, $0xF7A;
	s5 =	simm.s32 @!p2 $0x0  }
0x1d: {  	s5 =	simm.s32 @p1 $0x1;
	p0 =	seq.s32 s7, s2  }
0x1e: {  	s7 =	smul.u32 @!p0 $0xF7A, s2;
	p2 =	seq.s32 @!p0 s5, $0x0  }
0x1f: {  	s9 =	smul.u32 $0xF7A, s1;
	s8 =	simm.s32 @!p0 $0x1BF5;
	p2 =	por !p2, p0  }
0x20: {  	[sflag:s8] =	ssyncset.s32 @!p0 $0xFFFFF086;
	s6 =	sadd.s32 @!p0 s3, s7;
	s7 =	simm.s32 @!p0 $0x108  }
0x21: {  	s3 =	sadd.s32 s3, s9;
	s6 =	sadd.s32 @!p0 $0x88, s6;
	s7 =	simm.s32 @p2 $0x1082  }
0x22: {  	[simem:s7], [sflag:s8] =	dma.local @!p0 [hbm:s6], $0xF7A  }
0x23: {  	s9 =	sor.u32 $0xD0000000, s2;
	s6 =	simm.s32 $0x108;
	_ =	swait.ge @!p0 [sflag:s8], $0x0  }
0x24: {  	s3 =	sadd.s32 $0x88, s3;
	s6 =	simm.s32 @!p1 $0x1082;
	[sflag:s4] =	ssyncset.s32 $0xFFFFF086  }
0x25: {  	[simem:s6], [sflag:s4] =	dma.local [hbm:s3], $0xF7A  }
0x26: {  	[smem:$0x3F9B] =	sst s1;
	(tag) =	ssettag s2;
	_ =	strace s9  }
0x27: {  	s1 =	sld [smem:$0x3FAB]  }
0x28: {  	s2 =	sld [smem:$0x3FAC]  }
0x29: {  	s4 =	sld [smem:$0x3FAE]  }
0x2a: {  	p0 =	seq.s32 s5, $0x0;
	s5 =	sld [smem:$0x3FAF]  }
0x2b: {  	s6 =	sld [smem:$0x3FB0]  }
0x2c: {  	s7 =	sld [smem:$0x3FB1]  }
0x2d: {  	s3 =	simm.s32 $0x108;
	s8 =	sld [smem:$0x3FB2]  }
0x2e: {  	s3 =	simm.s32 @!p0 $0x1082;
	s9 =	sld [smem:$0x3FB3]  }
0x2f: {  	lr =	sadd.s32 s0, s3;
	s0 =	sld [smem:$0x3FAA]  }
0x30: {  	s3 =	sld [smem:$0x3FAD]  }
0x31: {  	[smem:$0x3FB6] =	sst s10  }
0x32: {  	s10 =	sld [smem:$0x3FB4];
	_ =	sdelay $0x3  }
0x33: {  	p0 =	seq.s32 s10, $0x1;
	s10 =	sld [smem:$0x3FB6];
	_ =	sdelay $0x3  }
0x34: {  	[smem:$0x3FB6] =	sst s10  }
0x35: {  	s10 =	sld [smem:$0x3FB5];
	_ =	sdelay $0x3  }
0x36: {  	p1 =	seq.s32 s10, $0x1;
	s10 =	sld [smem:$0x3FB6];
	_ =	sdelay $0x3  }
0x37: {  	[smem:$0x3FB6] =	sst s10  }
0x38: {  	s10 =	sld [smem:$0x3FB7]  }
0x39: {  	_ = 	snop;
	(pc) =	sbr.ind lr, $3  }
0x3a: {  	_ = 	snop  }
0x3b: {  	_ = 	snop  }
0x3c: {  	p2 =	seq.s32 s10, $0x1;
	s10 =	sld [smem:$0x3FB6]  }
0x3d: {  	_ =	shalt  }
0x3e: {  	_ =	shalt  }
0x3f: {  	_ =	shalt  }
0x40: {  	_ =	shalt  }
0x41: {  	_ =	shalt  }
0x42: {  	_ =	shalt  }
0x43: {  	_ =	shalt  }
0x44: {  	_ =	shalt  }
0x45: {  	_ =	shalt  }
0x46: {  	_ =	shalt  }
0x47: {  	_ =	shalt  }
0x48: {  	_ =	shalt  }
0x49: {  	_ =	shalt  }
0x4a: {  	_ =	shalt  }
0x4b: {  	_ =	shalt  }
0x4c: {  	_ =	shalt  }
0x4d: {  	_ =	shalt  }
0x4e: {  	_ =	shalt  }
0x4f: {  	_ =	shalt  }
0x50: {  	_ =	shalt  }
0x51: {  	_ =	shalt  }
0x52: {  	_ =	shalt  }
0x53: {  	_ =	shalt  }
0x54: {  	_ =	shalt  }
0x55: {  	_ =	shalt  }
0x56: {  	_ =	shalt  }
0x57: {  	_ =	shalt  }
0x58: {  	_ =	shalt  }
0x59: {  	_ =	shalt  }
0x5a: {  	_ =	shalt  }
0x5b: {  	_ =	shalt  }
0x5c: {  	_ =	shalt  }
0x5d: {  	_ =	shalt  }
0x5e: {  	_ =	shalt  }
0x5f: {  	_ =	shalt  }
0x60: {  	_ =	shalt  }
0x61: {  	_ =	shalt  }
0x62: {  	_ =	shalt  }
0x63: {  	_ =	shalt  }
0x64: {  	_ =	shalt  }
0x65: {  	_ =	shalt  }
0x66: {  	_ =	shalt  }
0x67: {  	_ =	shalt  }
0x68: {  	_ =	shalt  }
0x69: {  	_ =	shalt  }
0x6a: {  	_ =	shalt  }
0x6b: {  	_ =	shalt  }
0x6c: {  	_ =	shalt  }
0x6d: {  	_ =	shalt  }
0x6e: {  	_ =	shalt  }
0x6f: {  	_ =	shalt  }
0x70: {  	_ =	shalt  }
0x71: {  	_ =	shalt  }
0x72: {  	_ =	shalt  }
0x73: {  	_ =	shalt  }
0x74: {  	_ =	shalt  }
0x75: {  	_ =	shalt  }
0x76: {  	_ =	shalt  }
0x77: {  	_ =	shalt  }
0x78: {  	_ =	shalt  }
0x79: {  	_ =	shalt  }
0x7a: {  	_ =	shalt  }
0x7b: {  	_ =	shalt  }
0x7c: {  	_ =	shalt  }
0x7d: {  	_ =	shalt  }
0x7e: {  	_ =	shalt  }
0x7f: {  	_ =	shalt  }
0x80: {  	_ =	shalt  }
0x81: {  	_ =	shalt  }
0x82: {  	_ =	shalt  }
0x83: {  	_ =	shalt  }
0x84: {  	_ =	shalt  }
0x85: {  	_ =	shalt  }
0x86: {  	_ =	shalt  }
0x87: {  	_ =	shalt  }
.Lfunc_end0:
.L_simem_size_0:
called_computation_lowered:
.L_overlay_start_0:
0x88: {  	s2 =	sld [smem:$0x3FD9]  }
0x89: {  	s3 =	sld [smem:$0x3FFE];
	_ =	sdelay $0x1  }
0x8a: {  	s1 =	srdreg.scid  }
0x8b: {  	s0 =	sand.u32 $0x1, s1  }
0x8c: {  	s17 =	sshll.u32 s0, $0xA;
	s2 =	sadd.s32 s3, s2  }
0x8d: {  	s2 =	sadd.s32 s2, s17  }
0x8e: {  	[smem:$0x3FC2] =	sst s2  }
0x8f: {  	_ = 	snop  }
0x90: {  	s2 =	sld [smem:$0x3FD0];
	(tm) =	ssettm $0x1  }
0x91: {  	s18 =	sld [smem:$0x3FFB];
	_ =	sdelay $0x3  }
0x92: {  	_ =	strace s18  }
0x93: {  	s3 =	sld [smem:$0x3FFC];
	_ =	sdelay $0x3  }
0x94: {  	_ =	strace s3  }
0x95: {  	s3 =	sld [smem:$0x3FFD];
	_ =	sdelay $0x3  }
0x96: {  	_ =	strace s3  }
0x97: {  	_ =	strace $0x8FFFFFFF  }
0x98: {  	s19 =	sld [smem:$0x3FDB];
	_ =	sdelay $0x1  }
0x99: {  	s4 =	simm.s32 $_scs_section_size  }
0x9a: {  	s5 =	simm.s32 $_size__tile_overlayer_lowered;
	s6 =	simm.s32 $_tile_overlayer_lowered  }
0x9b: {  	s22 =	simm.s32 $0x1BFF;
	s21 =	sshll.u32 s6, $0x1;
	s3 =	sadd.s32 s4, s19  }
0x9c: {  	s7 =	simm.s32 $0x0;
	s20 =	sshll.u32 s5, $0x1;
	s5 =	sadd.s32 s21, s3  }
0x9d: {  	[timem:s7], [sflag:s22] =	dma.local [hbm:s5], s20  }
0x9e: {  	_ =	swait.ge [sflag:s22], s20  }
0x9f: {  	s4 =	ssub.s32 $0x0, s20;
	[sflag:s22] =	ssyncset.done $0x0  }
0xa0: {  	[sflag:s22] =	ssyncadd.s32 s4;
	_ =	sdelay $0x1  }
0xa1: {  	s23 =	simm.s32 $0x1B8B  }
0xa2: {  	_ =	swait.ge [sflag:s23], $0x1  }
0xa3: {  	[sflag:s23] =	ssyncset.done $0x0  }
0xa4: {  	s25 =	simm.s32 $0x1B8E;
	s24 =	sld [smem:$0x3FFE];
	[sflag:s23] =	ssyncadd.s32 $0xFFFFFFFF  }
0xa5: {  	s26 =	simm.s32 $execute0_lowered;
	[smem:$0x3FD2] =	sst s25  }
0xa6: {  	s5 =	sshll.u32 s26, $0x1;
	_ =	strace $0x80000046;
	[dreg:$0x1] =	wrdreg $0xFFFFFFFF  }
0xa7: {  	s28 =	simm.s32 $_size_execute0_lowered;
	s3 =	sadd.s32 s3, s5;
	[dreg:$0x0] =	wrdreg $0x0  }
0xa8: {  	s5 =	sshll.u32 s28, $0x1;
	[dreg:$0x2] =	wrdreg s3  }
0xa9: {  	[dreg:$0x3] =	wrdreg s5  }
0xaa: {  	[dreg:$0x4] =	wrdreg $0xC0  }
0xab: {  	_ =	task [dreg:s7], $0x5FFFF  }
0xac: {  	[dreg:$0x1] =	wrdreg $0xFFFFFFFF  }
0xad: {  	[dreg:$0x0] =	wrdreg $0x60  }
0xae: {  	[dreg:$0x2] =	wrdreg s24  }
0xaf: {  	[dreg:$0x3] =	wrdreg s2  }
0xb0: {  	[dreg:$0x4] =	wrdreg $0x28800  }
0xb1: {  	[dreg:$0x5] =	wrdreg $0x9  }
0xb2: {  	_ =	task.clear_ibuf [dreg:s7], $0x6FFFF;
	_ =	strace $0x90000046  }
0xb3: {  	s29 =	simm.s32 $0x9;
	_ =	strace $0x80000048  }
0xb4: {  	_ =	swait.ge [sflag:s29], $0x1  }
0xb5: {  	[sflag:s29] =	ssyncadd.s32 $0xFFFFFFFF  }
0xb6: {  	_ =	strace $0x90000048  }
0xb7: {  	_ =	sfence  }
0xb8: {  	s30 =	sld [smem:$0x0];
	_ =	sdelay $0x2  }
0xb9: {  	s31 =	sshll.u32 s1, $0xD;
	s1 =	sshrl.u32 s1, $0x2  }
0xba: {  	s3 =	sand.u32 $0x4000, s31;
	s1 =	sadd.s32 s1, s30  }
0xbb: {  	s0 =	sor.u32 s3, s0;
	s1 =	sshll.u32 s1, $0x11  }
0xbc: {  	s0 =	sor.u32 s1, s0  }
0xbd: {  	s0 =	sadd.s32 $0x8F2B, s0  }
0xbe: {  	[sflag:s0] =	ssyncadd.remote.s32 $0x1  }
0xbf: {  	_ =	sfence.sel $0xFFFF  }
0xc0: {  	[dreg:$0x0] =	wrdreg $0xFFFFFFFF;
	(pc) =	sbr.abs _section_cstart, $3  }
0xc1: {  	[dreg:$0x1] =	wrdreg $0xFFFFFFFF  }
0xc2: {  	_ =	task.clear_ibuf [dreg:s7], $0x2FFFF;
	_ =	strace $0x9FFFFFFF  }
0xc3: {  	(tm) =	ssettm $0x7FFFFFFF  }
tec
execute0_lowered:
.L_overlay_start_1:
0x0: {  	(tag) =	ssettag $0x1  }
0x1: {  	s5 =	rddreg [dreg:$0x0]  }
0x2: {  	s1 =	srdreg.scid;
	s8 =	rddreg [dreg:$0x1]  }
0x3: {  	s0 =	stileid.u32;
	s2 =	rddreg [dreg:$0x2];
	s3 =	simm.s32 $0x0  }
0x4: {  	s13 =	simm.s32 $0x80;
	s14 =	simm.s32 $0x20;
	s4 =	smul.u32 $0x5000, s0  }
0x5: {  	s15 =	simm.s32 $0x10;
	s16 =	simm.s32 $0x0;
	s10 =	smul.u32 $0xA00, s0  }
0x6: {  	s6 =	sand.u32 $0x1, s1;
	s1 =	rddreg [dreg:$0x3];
	s12 =	smul.u32 $0x500, s0  }
0x7: {  	[smem:$0x7FF] =	sst s3;
	s30 =	sshll.u32 s0, $0x6;
	s7 =	smul.u32 $0x2800, s6  }
0x8: {  	_ =	strace $0x80000047;
	s9 =	ssub.s32 $0x2, s6;
	s6 =	sshll.u32 s6, $0x7  }
0x9: {  	s11 =	sshrl.u32 s9, $0x1;
	s10 =	sshrl.u32 s10, $0x2;
	s12 =	sor.u32 s6, s12  }
0xa: {  	s6 =	sor.u32 $0x1C01, s30;
	s4 =	sadd.s32 s7, s4;
	s9 =	ssub.s32 s9, s11  }
0xb: {  	s10 =	sadd.s32 s10, s2;
	s31 =	sshrl.u32 s12, $0x3;
	s11 =	simm.s32 $0x1  }
0xc: {  	s12 =	simm.s32 $0x2800;
	s4 =	sshrl.u32 s4, $0x3;
	s8 =	sadd.s32 s8, s31  }
0xd: {  	s9 =	smax.u32 s9, $0x1;
	s10 =	sshrl.u32 s10, $0x3;
	s29 =	sadd.s32 s4, s5  }
0xe: {  	s4 =	sadd.s32 $0xBA00, s5;
	s5 =	sadd.s32 $0xB800, s5;
	s7 =	sadd.s32 $0x1800, s29  }
.LBB2_1:
0xf: {  	[spmem:s10], [sflag:s6] =	dma.local [hbm:s4], $0x50  }
0x10: {  	_ =	swait.ge [sflag:s11], $0x50  }
0x11: {  	[sflag:s11] =	ssyncset.done $0x0  }
0x12: {  	[sflag:s11] =	ssyncadd.s32 $0xFFFFFFB0  }
0x13: {  	[tilespmem:s12], [sflag:$0x1] =	stream.linear.gather [hbm4b:s5+s3], $0x80, $0x38;
	[tilespmem:$0x2B00] =	vst v63  }
0x14: {  	_ =	swait.ge [sflag:s11], $0x80  }
0x15: {  	[sflag:s11] =	ssyncset.done $0x0  }
0x16: {  	[sflag:s11] =	ssyncadd.s32 $0xFFFFFF80  }
0x17: {  	[tilespmem:s3], [sflag:$0x1] =	stream.linear.gather [hbm4b:s7+s3], $0x2800, $0x38;
	[tilespmem:$0x2B00] =	vst v63  }
0x18: {  	_ =	swait.ge [sflag:s11], $0x2800  }
0x19: {  	[sflag:s11] =	ssyncset.done $0x0  }
0x1a: {  	[sflag:s11] =	ssyncadd.s32 $0xFFFFD800  }
0x1b: {  	s17 =	simm.s32 $0x0;
	[bflag:$0x0] =	sbarrier.arrive $0xFFFF  }
0x1c: {  	[spmem:s2] =	stream.indirect.scatter.add.f32 [tilespmem:s12], [sflag:$0x1], $0x1, s17, s13, $0xb8;
	[tilespmem:$0x2B00] =	vst v63  }
0x1d: {  	_ =	swait.ge [sflag:s11], $0x80  }
0x1e: {  	s17 =	simm.s32 $0x200;
	[sflag:s11] =	ssyncset.done $0x0  }
.LBB2_2:
0x1f: {  	s18 =	sshra.s32 s17, $0x2;
	[sflag:s11] =	ssyncadd.s32 $0xFFFFFF80;
	p0 =	sne.s32 s17, $0x9E00  }
0x20: {  	[spmem:s2] =	stream.indirect.scatter.add.f32 [tilespmem:s12], [sflag:$0x1], $0x1, s18, s13, $0xb8;
	[tilespmem:$0x2B00] =	vst v63  }
.Ltmp0:
0x21: {  	_ = 	snop;
	(pc) =	sbr.rel @p0 .LBB2_2-.Ltmp0, $4  }
0x22: {  	_ = 	snop  }
0x23: {  	s17 =	sadd.s32 $0x200, s17  }
0x24: {  	_ =	swait.ge [sflag:s11], $0x80  }
0x25: {  	[sflag:s11] =	ssyncset.done $0x0  }
0x26: {  	s16 =	sadd.s32 $0x1, s16  }
0x27: {  	[sflag:s11] =	ssyncadd.s32 $0xFFFFFF80;
	p0 =	sne.s32 s16, s9  }
.Ltmp1:
0x28: {  	[bflag:$0x0] =	sbarrier.arrive $0xFFFF;
	(pc) =	sbr.rel @p0 .LBB2_1-.Ltmp1, $4  }
0x29: {  	[hbm:s8@s14], [sflag:s6] =	dma.strided [spmem:s10@s15], $0x50, s11, $0x10   }
0x2a: {  	_ =	swait.ge [sflag:s11], $0x50  }
0x2b: {  	[sflag:s11] =	ssyncset.done $0x0  }
0x2c: {  	[sflag:s11] =	ssyncadd.s32 $0xFFFFFFB0  }
0x2d: {  	_ =	sfence.sel $0x180000  }
0x2e: {  	[bflag:$0x0] =	sbarrier.arrive $0xFFFF  }
0x2f: {  	p0 =	sne.s32 s0, $0x0;
	_ =	strace $0x90000047  }
0x30: {  	s0 =	sadd.s32 @!p0 $0x100000, s1;
	[bflag:$0x2] =	sbarrier.arrive $0xFFFF  }
0x31: {  	[sflag:s0] =	ssyncadd.tile.s32 @!p0 $0x1;
	_ =	shalt  }
.Lfunc_end2:
_tile_overlayer_lowered:
.L_overlay_start_2:
0x32: {  	(tag) =	ssettag $0x2  }
0x33: {  	s0 =	rddreg [dreg:$0x0];
	s2 =	stileid.u32  }
0x34: {  	s1 =	rddreg [dreg:$0x1];
	p0 =	sne.s32 s2, $0x0  }
0x35: {  	s3 =	rddreg [dreg:$0x2];
	[bflag:$0x3] =	sbarrier.arrive $0xFFFF;
	s2 =	simm.s32 @!p0 $0x1C01  }
0x36: {  	[timem:s3], [sflag:s2] =	dma.local @!p0 [hbm:s0], s1  }
0x37: {  	s0 =	simm.s32 @!p0 $0x1  }
0x38: {  	_ =	swait.ge @!p0 [sflag:s0], s1  }
0x39: {  	s1 =	ssub.s32 @!p0 $0x0, s1;
	[sflag:s0] =	ssyncset.done @!p0 $0x0  }
0x3a: {  	[sflag:s0] =	ssyncadd.s32 @!p0 s1  }
0x3b: {  	[bflag:$0x3] =	sbarrier.arrive $0xFFFF  }
0x3c: {  	_ =	shalt  }

// kernel: kernel.9.cloned.1.call-start
scs
__scs_entry_jumppad:
0x0: {  	(pc) =	sbr.rel $0x88, $3  }
0x1: {  	(tag) =	ssettag $0x0;
	lr =	simm.s32 $0x1  }
0x2: {  	[smem:$0x3F9B] =	sst lr;
	_ =	strace $0xD0000000  }
0x3: {  	_ = 	snop  }
0x4: {  	_ = 	snop  }
0x5: {  	_ = 	snop  }
0x6: {  	_ = 	snop  }
0x7: {  	_ = 	snop  }
__scs_overlays_trampoline_lowered:
0x8: {  	[smem:$0x3FAA] =	sst s0  }
0x9: {  	[smem:$0x3FAB] =	sst s1  }
0xa: {  	[smem:$0x3FAC] =	sst s2  }
0xb: {  	[smem:$0x3FAD] =	sst s3  }
0xc: {  	[smem:$0x3FAE] =	sst s4  }
0xd: {  	[smem:$0x3FAF] =	sst s5  }
0xe: {  	[smem:$0x3FB0] =	sst s6  }
0xf: {  	[smem:$0x3FB1] =	sst s7  }
0x10: {  	[smem:$0x3FB2] =	sst s8  }
0x11: {  	[smem:$0x3FB3] =	sst s9;
	s0 =	simm.s32 @!p0 $0x0  }
0x12: {  	s1 =	sld [smem:$0x3F99];
	s0 =	simm.s32 @p0 $0x1  }
0x13: {  	[smem:$0x3FB4] =	sst s0;
	s0 =	simm.s32 @!p1 $0x0  }
0x14: {  	s2 =	sld [smem:$0x3F98];
	s0 =	simm.s32 @p1 $0x1  }
0x15: {  	[smem:$0x3FB5] =	sst s0;
	s0 =	simm.s32 @!p2 $0x0  }
0x16: {  	s3 =	sld [smem:$0x3FDB];
	s0 =	simm.s32 @p2 $0x1  }
0x17: {  	s4 =	simm.s32 $0x1BF5;
	[smem:$0x3FB7] =	sst s0  }
0x18: {  	s0 =	sld [smem:$0x3F9A];
	_ =	swait.ge [sflag:s4], $0x0  }
0x19: {  	s7 =	sld [smem:$0x3F9B]  }
0x1a: {  	s8 =	sadd.s32 $0xFFFFE003, lr  }
0x1b: {  	s9 =	sadd.s32 $0xFFFFFEF7, lr;
	s5 =	simm.s32 $0xFFFFFFFF;
	p2 =	slt.u32 s8, $0xFFFFF086  }
0x1c: {  	p1 =	slt.u32 s9, $0xF7A;
	s5 =	simm.s32 @!p2 $0x0  }
0x1d: {  	s5 =	simm.s32 @p1 $0x1;
	p0 =	seq.s32 s7, s2  }
0x1e: {  	s7 =	smul.u32 @!p0 $0xF7A, s2;
	p2 =	seq.s32 @!p0 s5, $0x0  }
0x1f: {  	s9 =	smul.u32 $0xF7A, s1;
	s8 =	simm.s32 @!p0 $0x1BF5;
	p2 =	por !p2, p0  }
0x20: {  	[sflag:s8] =	ssyncset.s32 @!p0 $0xFFFFF086;
	s6 =	sadd.s32 @!p0 s3, s7;
	s7 =	simm.s32 @!p0 $0x108  }
0x21: {  	s3 =	sadd.s32 s3, s9;
	s6 =	sadd.s32 @!p0 $0x88, s6;
	s7 =	simm.s32 @p2 $0x1082  }
0x22: {  	[simem:s7], [sflag:s8] =	dma.local @!p0 [hbm:s6], $0xF7A  }
0x23: {  	s9 =	sor.u32 $0xD0000000, s2;
	s6 =	simm.s32 $0x108;
	_ =	swait.ge @!p0 [sflag:s8], $0x0  }
0x24: {  	s3 =	sadd.s32 $0x88, s3;
	s6 =	simm.s32 @!p1 $0x1082;
	[sflag:s4] =	ssyncset.s32 $0xFFFFF086  }
0x25: {  	[simem:s6], [sflag:s4] =	dma.local [hbm:s3], $0xF7A  }
0x26: {  	[smem:$0x3F9B] =	sst s1;
	(tag) =	ssettag s2;
	_ =	strace s9  }
0x27: {  	s1 =	sld [smem:$0x3FAB]  }
0x28: {  	s2 =	sld [smem:$0x3FAC]  }
0x29: {  	s4 =	sld [smem:$0x3FAE]  }
0x2a: {  	p0 =	seq.s32 s5, $0x0;
	s5 =	sld [smem:$0x3FAF]  }
0x2b: {  	s6 =	sld [smem:$0x3FB0]  }
0x2c: {  	s7 =	sld [smem:$0x3FB1]  }
0x2d: {  	s3 =	simm.s32 $0x108;
	s8 =	sld [smem:$0x3FB2]  }
0x2e: {  	s3 =	simm.s32 @!p0 $0x1082;
	s9 =	sld [smem:$0x3FB3]  }
0x2f: {  	lr =	sadd.s32 s0, s3;
	s0 =	sld [smem:$0x3FAA]  }
0x30: {  	s3 =	sld [smem:$0x3FAD]  }
0x31: {  	[smem:$0x3FB6] =	sst s10  }
0x32: {  	s10 =	sld [smem:$0x3FB4];
	_ =	sdelay $0x3  }
0x33: {  	p0 =	seq.s32 s10, $0x1;
	s10 =	sld [smem:$0x3FB6];
	_ =	sdelay $0x3  }
0x34: {  	[smem:$0x3FB6] =	sst s10  }
0x35: {  	s10 =	sld [smem:$0x3FB5];
	_ =	sdelay $0x3  }
0x36: {  	p1 =	seq.s32 s10, $0x1;
	s10 =	sld [smem:$0x3FB6];
	_ =	sdelay $0x3  }
0x37: {  	[smem:$0x3FB6] =	sst s10  }
0x38: {  	s10 =	sld [smem:$0x3FB7]  }
0x39: {  	_ = 	snop;
	(pc) =	sbr.ind lr, $3  }
0x3a: {  	_ = 	snop  }
0x3b: {  	_ = 	snop  }
0x3c: {  	p2 =	seq.s32 s10, $0x1;
	s10 =	sld [smem:$0x3FB6]  }
0x3d: {  	_ =	shalt  }
0x3e: {  	_ =	shalt  }
0x3f: {  	_ =	shalt  }
0x40: {  	_ =	shalt  }
0x41: {  	_ =	shalt  }
0x42: {  	_ =	shalt  }
0x43: {  	_ =	shalt  }
0x44: {  	_ =	shalt  }
0x45: {  	_ =	shalt  }
0x46: {  	_ =	shalt  }
0x47: {  	_ =	shalt  }
0x48: {  	_ =	shalt  }
0x49: {  	_ =	shalt  }
0x4a: {  	_ =	shalt  }
0x4b: {  	_ =	shalt  }
0x4c: {  	_ =	shalt  }
0x4d: {  	_ =	shalt  }
0x4e: {  	_ =	shalt  }
0x4f: {  	_ =	shalt  }
0x50: {  	_ =	shalt  }
0x51: {  	_ =	shalt  }
0x52: {  	_ =	shalt  }
0x53: {  	_ =	shalt  }
0x54: {  	_ =	shalt  }
0x55: {  	_ =	shalt  }
0x56: {  	_ =	shalt  }
0x57: {  	_ =	shalt  }
0x58: {  	_ =	shalt  }
0x59: {  	_ =	shalt  }
0x5a: {  	_ =	shalt  }
0x5b: {  	_ =	shalt  }
0x5c: {  	_ =	shalt  }
0x5d: {  	_ =	shalt  }
0x5e: {  	_ =	shalt  }
0x5f: {  	_ =	shalt  }
0x60: {  	_ =	shalt  }
0x61: {  	_ =	shalt  }
0x62: {  	_ =	shalt  }
0x63: {  	_ =	shalt  }
0x64: {  	_ =	shalt  }
0x65: {  	_ =	shalt  }
0x66: {  	_ =	shalt  }
0x67: {  	_ =	shalt  }
0x68: {  	_ =	shalt  }
0x69: {  	_ =	shalt  }
0x6a: {  	_ =	shalt  }
0x6b: {  	_ =	shalt  }
0x6c: {  	_ =	shalt  }
0x6d: {  	_ =	shalt  }
0x6e: {  	_ =	shalt  }
0x6f: {  	_ =	shalt  }
0x70: {  	_ =	shalt  }
0x71: {  	_ =	shalt  }
0x72: {  	_ =	shalt  }
0x73: {  	_ =	shalt  }
0x74: {  	_ =	shalt  }
0x75: {  	_ =	shalt  }
0x76: {  	_ =	shalt  }
0x77: {  	_ =	shalt  }
0x78: {  	_ =	shalt  }
0x79: {  	_ =	shalt  }
0x7a: {  	_ =	shalt  }
0x7b: {  	_ =	shalt  }
0x7c: {  	_ =	shalt  }
0x7d: {  	_ =	shalt  }
0x7e: {  	_ =	shalt  }
0x7f: {  	_ =	shalt  }
0x80: {  	_ =	shalt  }
0x81: {  	_ =	shalt  }
0x82: {  	_ =	shalt  }
0x83: {  	_ =	shalt  }
0x84: {  	_ =	shalt  }
0x85: {  	_ =	shalt  }
0x86: {  	_ =	shalt  }
0x87: {  	_ =	shalt  }
.Lfunc_end0:
.L_simem_size_0:
called_computation.1_lowered:
.L_overlay_start_0:
0x88: {  	s2 =	sld [smem:$0x3FD9]  }
0x89: {  	s3 =	sld [smem:$0x3FFE];
	_ =	sdelay $0x1  }
0x8a: {  	s1 =	srdreg.scid  }
0x8b: {  	s0 =	sand.u32 $0x1, s1  }
0x8c: {  	s17 =	sshll.u32 s0, $0xA;
	s2 =	sadd.s32 s3, s2  }
0x8d: {  	s2 =	sadd.s32 s2, s17  }
0x8e: {  	[smem:$0x3FC2] =	sst s2  }
0x8f: {  	_ = 	snop  }
0x90: {  	s2 =	sld [smem:$0x3FD0];
	(tm) =	ssettm $0x1  }
0x91: {  	s18 =	sld [smem:$0x3FFB];
	_ =	sdelay $0x3  }
0x92: {  	_ =	strace s18  }
0x93: {  	s3 =	sld [smem:$0x3FFC];
	_ =	sdelay $0x3  }
0x94: {  	_ =	strace s3  }
0x95: {  	s3 =	sld [smem:$0x3FFD];
	_ =	sdelay $0x3  }
0x96: {  	_ =	strace s3  }
0x97: {  	_ =	strace $0x8FFFFFFF  }
0x98: {  	s19 =	sld [smem:$0x3FDB];
	_ =	sdelay $0x1  }
0x99: {  	s4 =	simm.s32 $_scs_section_size  }
0x9a: {  	s5 =	simm.s32 $_size__tile_overlayer_lowered;
	s6 =	simm.s32 $_tile_overlayer_lowered  }
0x9b: {  	s22 =	simm.s32 $0x1BFF;
	s21 =	sshll.u32 s6, $0x1;
	s3 =	sadd.s32 s4, s19  }
0x9c: {  	s7 =	simm.s32 $0x0;
	s20 =	sshll.u32 s5, $0x1;
	s5 =	sadd.s32 s21, s3  }
0x9d: {  	[timem:s7], [sflag:s22] =	dma.local [hbm:s5], s20  }
0x9e: {  	_ =	swait.ge [sflag:s22], s20  }
0x9f: {  	s4 =	ssub.s32 $0x0, s20;
	[sflag:s22] =	ssyncset.done $0x0  }
0xa0: {  	[sflag:s22] =	ssyncadd.s32 s4;
	_ =	sdelay $0x1  }
0xa1: {  	s23 =	simm.s32 $0x1B8B  }
0xa2: {  	_ =	swait.ge [sflag:s23], $0x1  }
0xa3: {  	[sflag:s23] =	ssyncset.done $0x0  }
0xa4: {  	s25 =	simm.s32 $0x1B8E;
	s24 =	sld [smem:$0x3FFE];
	[sflag:s23] =	ssyncadd.s32 $0xFFFFFFFF  }
0xa5: {  	s26 =	simm.s32 $execute0_lowered;
	[smem:$0x3FD2] =	sst s25  }
0xa6: {  	s5 =	sshll.u32 s26, $0x1;
	_ =	strace $0x80000049;
	[dreg:$0x1] =	wrdreg $0xFFFFFFFF  }
0xa7: {  	s28 =	simm.s32 $_size_execute0_lowered;
	s3 =	sadd.s32 s3, s5;
	[dreg:$0x0] =	wrdreg $0x0  }
0xa8: {  	s5 =	sshll.u32 s28, $0x1;
	[dreg:$0x2] =	wrdreg s3  }
0xa9: {  	[dreg:$0x3] =	wrdreg s5  }
0xaa: {  	[dreg:$0x4] =	wrdreg $0xC0  }
0xab: {  	_ =	task [dreg:s7], $0x5FFFF  }
0xac: {  	[dreg:$0x1] =	wrdreg $0xFFFFFFFF  }
0xad: {  	[dreg:$0x0] =	wrdreg $0x60  }
0xae: {  	[dreg:$0x2] =	wrdreg s2  }
0xaf: {  	[dreg:$0x3] =	wrdreg s24  }
0xb0: {  	[dreg:$0x4] =	wrdreg $0x84000  }
0xb1: {  	[dreg:$0x5] =	wrdreg $0x9  }
0xb2: {  	_ =	task.clear_ibuf [dreg:s7], $0x6FFFF;
	_ =	strace $0x90000049  }
0xb3: {  	s29 =	simm.s32 $0x9;
	_ =	strace $0x8000004B  }
0xb4: {  	_ =	swait.ge [sflag:s29], $0x1  }
0xb5: {  	[sflag:s29] =	ssyncadd.s32 $0xFFFFFFFF  }
0xb6: {  	_ =	strace $0x9000004B  }
0xb7: {  	_ =	sfence  }
0xb8: {  	s30 =	sld [smem:$0x0];
	_ =	sdelay $0x2  }
0xb9: {  	s31 =	sshll.u32 s1, $0xD;
	s1 =	sshrl.u32 s1, $0x2  }
0xba: {  	s3 =	sand.u32 $0x4000, s31;
	s1 =	sadd.s32 s1, s30  }
0xbb: {  	s0 =	sor.u32 s3, s0;
	s1 =	sshll.u32 s1, $0x11  }
0xbc: {  	s0 =	sor.u32 s1, s0  }
0xbd: {  	s0 =	sadd.s32 $0x8F2B, s0  }
0xbe: {  	[sflag:s0] =	ssyncadd.remote.s32 $0x1  }
0xbf: {  	_ =	sfence.sel $0xFFFF  }
0xc0: {  	[dreg:$0x0] =	wrdreg $0xFFFFFFFF;
	(pc) =	sbr.abs _section_cstart, $3  }
0xc1: {  	[dreg:$0x1] =	wrdreg $0xFFFFFFFF  }
0xc2: {  	_ =	task.clear_ibuf [dreg:s7], $0x2FFFF;
	_ =	strace $0x9FFFFFFF  }
0xc3: {  	(tm) =	ssettm $0x7FFFFFFF  }
tec
execute0_lowered:
.L_overlay_start_1:
0x0: {  	(tag) =	ssettag $0x1  }
0x1: {  	s1 =	rddreg [dreg:$0x0]  }
0x2: {  	s0 =	rddreg [dreg:$0x1]  }
0x3: {  	s2 =	rddreg [dreg:$0x2]  }
0x4: {  	s3 =	srdreg.scid;
	s4 =	simm.s32 $0x0;
	s12 =	stileid.u32  }
0x5: {  	s28 =	simm.s32 $0x300;
	s29 =	simm.s32 $0x2;
	s30 =	simm.s32 $0x5  }
0x6: {  	s31 =	simm.s32 $0x4400;
	s14 =	simm.s32 $0x7;
	s15 =	simm.s32 $0x4  }
0x7: {  	s16 =	simm.s32 $0x8;
	s17 =	simm.s32 $0x0;
	s8 =	smul.u32 $0x14000, s12  }
0x8: {  	s3 =	sand.u32 $0x1, s3;
	[smem:$0x7FF] =	sst s4;
	s9 =	smul.u32 $0x50000, s12  }
0x9: {  	s5 =	sadd.s32 $0xBC00, s0;
	s6 =	sadd.s32 $0x1800, s0;
	s7 =	smul.u32 $0x140000, s3  }
0xa: {  	s11 =	sadd.s32 $0x1FC00, s0;
	s18 =	smul.u32 $0x50000, s3;
	s3 =	ssub.s32 $0x2, s3  }
0xb: {  	_ =	strace $0x8000004A;
	[dreg:$0x4] =	wrdreg s11;
	s19 =	sshrl.u32 s3, $0x1  }
0xc: {  	s20 =	sshrl.u32 s9, $0x2;
	s7 =	sadd.s32 s8, s7;
	s3 =	ssub.s32 s3, s19  }
0xd: {  	s21 =	sadd.s32 s20, s2;
	s8 =	simm.s32 $0x3;
	s10 =	sshrl.u32 s7, $0x3  }
0xe: {  	s7 =	smul.u32 $0x5000, s12;
	s12 =	sshll.u32 s12, $0x6;
	s26 =	smax.u32 s3, $0x1  }
0xf: {  	s3 =	simm.s32 $0x380;
	s0 =	sadd.s32 s10, s0;
	s12 =	sor.u32 $0x1C09, s12  }
0x10: {  	[dreg:$0xd] =	wrdreg s26;
	s26 =	simm.s32 $0x100;
	s9 =	sadd.s32 s7, s18  }
0x11: {  	s23 =	sshrl.u32 s7, $0x3;
	s0 =	sadd.s32 $0x22400, s0;
	[dreg:$0x7] =	wrdreg s12  }
0x12: {  	s18 =	simm.s32 $0x9;
	s11 =	sadd.s32 s6, s23;
	[dreg:$0xc] =	wrdreg s0  }
0x13: {  	s22 =	sshrl.u32 s9, $0x3;
	s24 =	sadd.s32 $0x10, s11;
	[dreg:$0x6] =	wrdreg s11  }
0x14: {  	s23 =	simm.s32 $0x280;
	s10 =	sadd.s32 s5, s22;
	[dreg:$0x9] =	wrdreg s24  }
0x15: {  	s0 =	simm.s32 $0x180;
	s25 =	sadd.s32 $0x20, s11;
	[dreg:$0x5] =	wrdreg s10  }
0x16: {  	s11 =	sshrl.u32 s21, $0x3;
	s21 =	simm.s32 $0x200;
	[dreg:$0xb] =	wrdreg s25  }
0x17: {  	s22 =	simm.s32 $0x80;
	s13 =	sadd.s32 $0x10, s10;
	[dreg:$0xe] =	wrdreg s11  }
0x18: {  	s10 =	sadd.s32 $0x20, s10;
	s24 =	simm.s32 $0x1;
	[dreg:$0x8] =	wrdreg s13  }
0x19: {  	s25 =	simm.s32 $0x400;
	[dreg:$0xa] =	wrdreg s10;
	s13 =	simm.s32 $0x6  }
.LBB2_1:
0x1a: {  	s10 =	rddreg [dreg:$0x4]  }
0x1b: {  	[spmem:s11], [sflag:s12] =	dma.local [hbm:s10], $0x2800  }
0x1c: {  	_ =	swait.ge [sflag:s18], $0x2800  }
0x1d: {  	[sflag:s18] =	ssyncset.done $0x0  }
0x1e: {  	[sflag:s18] =	ssyncadd.s32 $0xFFFFD800  }
0x1f: {  	[bflag:$0x0] =	sbarrier.arrive $0xFFFF  }
0x20: {  	s11 =	rddreg [dreg:$0x5]  }
0x21: {  	[tilespmem:s4], [sflag:$0x1] =	stream.linear.gather [hbm4b:s11+s4], $0x80, $0x38;
	[tilespmem:$0x1C400] =	vst v63  }
0x22: {  	s12 =	rddreg [dreg:$0x6]  }
0x23: {  	[tilespmem:s21], [sflag:$0x1] =	stream.linear.gather [hbm4b:s12+s4], $0x80, $0x38;
	[tilespmem:$0x1C400] =	vst v63  }
0x24: {  	s18 =	rddreg [dreg:$0x8]  }
0x25: {  	[tilespmem:s22], [sflag:$0x2] =	stream.linear.gather [hbm4b:s18+s4], $0x80, $0x38;
	[tilespmem:$0x1C400] =	vst v63  }
0x26: {  	s19 =	rddreg [dreg:$0x9]  }
0x27: {  	[tilespmem:s23], [sflag:$0x2] =	stream.linear.gather [hbm4b:s19+s4], $0x80, $0x38;
	[tilespmem:$0x1C400] =	vst v63  }
0x28: {  	_ =	swait.ge [sflag:s24], $0x80  }
0x29: {  	[sflag:s24] =	ssyncset.done $0x0  }
0x2a: {  	[sflag:s24] =	ssyncadd.s32 $0xFFFFFF80  }
0x2b: {  	_ =	swait.ge [sflag:s24], $0x80  }
0x2c: {  	[sflag:s24] =	ssyncset.done $0x0  }
0x2d: {  	[sflag:s24] =	ssyncadd.s32 $0xFFFFFF80  }
0x2e: {  	[tilespmem:s25], [sflag:$0x5] =	stream.indirect.gather [hbm4b:s1+s22], $0x80, s4, s22, $0xb8;
	[tilespmem:$0x1C400] =	vst v63  }
0x2f: {  	s20 =	rddreg [dreg:$0xa]  }
0x30: {  	[tilespmem:s26], [sflag:$0x3] =	stream.linear.gather [hbm4b:s20+s4], $0x80, $0x38;
	[tilespmem:$0x1C400] =	vst v63  }
0x31: {  	s11 =	rddreg [dreg:$0xb]  }
0x32: {  	[tilespmem:s28], [sflag:$0x3] =	stream.linear.gather [hbm4b:s11+s4], $0x80, $0x38;
	[tilespmem:$0x1C400] =	vst v63  }
0x33: {  	_ =	swait.ge [sflag:s29], $0x80  }
0x34: {  	[sflag:s29] =	ssyncset.done $0x0  }
0x35: {  	[sflag:s29] =	ssyncadd.s32 $0xFFFFFF80  }
0x36: {  	_ =	swait.ge [sflag:s29], $0x80  }
0x37: {  	[sflag:s29] =	ssyncset.done $0x0  }
0x38: {  	[sflag:s29] =	ssyncadd.s32 $0xFFFFFF80  }
0x39: {  	_ =	swait.ge [sflag:s30], $0x4000  }
0x3a: {  	p0 =	por $0x1, $0x1;
	[sflag:s30] =	ssyncset.done $0x0  }
0x3b: {  	s10 =	simm.s32 @!p0 $0x8;
	[sflag:s30] =	ssyncadd.s32 $0xFFFFC000  }
0x3c: {  	s12 =	sand.u32 $0x7C00, s4;
	s19 =	sand.u32 $0x200, s4;
	_ =	swait.ge @!p0 [sflag:s10], $0x4000  }
0x3d: {  	s18 =	sor.u32 $0x180, s19;
	s20 =	sadd.s32 s9, s12;
	[sflag:s10] =	ssyncset.done @!p0 $0x0  }
0x3e: {  	s19 =	sadd.s32 s7, s12;
	s20 =	sor.u32 s18, s20;
	[sflag:s10] =	ssyncadd.s32 @!p0 $0xFFFFC000  }
0x3f: {  	[tilespmem:s31], [sflag:$0x6] =	stream.indirect.gather [hbm4b:s1+s22], $0x80, s22, s22, $0xb8;
	[tilespmem:$0x1C400] =	vst v63  }
0x40: {  	s11 =	sshrl.u32 s20, $0x3;
	s10 =	sor.u32 s18, s19  }
0x41: {  	[spmem:s2] =	stream.indirect.scatter.add.f32 [tilespmem:s25], [sflag:$0x7], $0x80, s21, s22, $0xb8;
	[tilespmem:$0x1C400] =	vst v63  }
0x42: {  	s11 =	sadd.s32 s5, s11;
	s10 =	sshrl.u32 s10, $0x3  }
0x43: {  	[tilespmem:s0], [sflag:$0x4] =	stream.linear.gather [hbm4b:s11+s4], $0x80, $0x38;
	[tilespmem:$0x1C400] =	vst v63  }
0x44: {  	s10 =	sadd.s32 s6, s10  }
0x45: {  	[tilespmem:s3], [sflag:$0x4] =	stream.linear.gather [hbm4b:s10+s4], $0x80, $0x38;
	[tilespmem:$0x1C400] =	vst v63  }
0x46: {  	_ =	swait.ge [sflag:s8], $0x80  }
0x47: {  	[sflag:s8] =	ssyncset.done $0x0  }
0x48: {  	[sflag:s8] =	ssyncadd.s32 $0xFFFFFF80  }
0x49: {  	_ =	swait.ge [sflag:s8], $0x80  }
0x4a: {  	[sflag:s8] =	ssyncset.done $0x0  }
0x4b: {  	[sflag:s8] =	ssyncadd.s32 $0xFFFFFF80  }
0x4c: {  	s12 =	smin.u32 s4, $0x9B;
	_ =	swait.ge [sflag:s13], $0x4000  }
0x4d: {  	s10 =	sshll.u32 s12, $0x7;
	[sflag:s13] =	ssyncset.done $0x0  }
0x4e: {  	s10 =	sadd.s32 $0x200, s10;
	[sflag:s13] =	ssyncadd.s32 $0xFFFFC000  }
0x4f: {  	s18 =	sand.u32 $0xFC00, s10;
	_ =	swait.ge [sflag:s14], $0x4000  }
0x50: {  	s10 =	sand.u32 $0x380, s10;
	s19 =	sadd.s32 s9, s18;
	[sflag:s14] =	ssyncset.done $0x0  }
0x51: {  	s11 =	sadd.s32 s7, s18;
	s12 =	sor.u32 s10, s19;
	[sflag:s14] =	ssyncadd.s32 $0xFFFFC000  }
0x52: {  	[tilespmem:s25], [sflag:$0x5] =	stream.indirect.gather [hbm4b:s1+s22], $0x80, s26, s22, $0xb8;
	[tilespmem:$0x1C400] =	vst v63  }
0x53: {  	s10 =	sor.u32 s10, s11;
	s20 =	sshrl.u32 s12, $0x3  }
0x54: {  	[spmem:s2] =	stream.indirect.scatter.add.f32 [tilespmem:s31], [sflag:$0x8], $0x80, s23, s22, $0xb8;
	[tilespmem:$0x1C400] =	vst v63  }
0x55: {  	s10 =	sshrl.u32 s10, $0x3;
	s11 =	sadd.s32 s5, s20  }
0x56: {  	[tilespmem:s4], [sflag:$0x1] =	stream.linear.gather [hbm4b:s11+s4], $0x80, $0x38;
	[tilespmem:$0x1C400] =	vst v63  }
0x57: {  	s10 =	sadd.s32 s6, s10  }
0x58: {  	[tilespmem:s21], [sflag:$0x1] =	stream.linear.gather [hbm4b:s10+s4], $0x80, $0x38;
	[tilespmem:$0x1C400] =	vst v63  }
0x59: {  	_ =	swait.ge [sflag:s15], $0x80  }
0x5a: {  	[sflag:s15] =	ssyncset.done $0x0  }
0x5b: {  	[sflag:s15] =	ssyncadd.s32 $0xFFFFFF80  }
0x5c: {  	_ =	swait.ge [sflag:s15], $0x80  }
0x5d: {  	[sflag:s15] =	ssyncset.done $0x0  }
0x5e: {  	[sflag:s15] =	ssyncadd.s32 $0xFFFFFF80  }
0x5f: {  	s12 =	smin.u32 s4, $0x9A;
	_ =	swait.ge [sflag:s30], $0x4000  }
0x60: {  	s10 =	sshll.u32 s12, $0x7;
	[sflag:s30] =	ssyncset.done $0x0  }
0x61: {  	s10 =	sadd.s32 $0x280, s10;
	[sflag:s30] =	ssyncadd.s32 $0xFFFFC000  }
0x62: {  	s18 =	sand.u32 $0xFC00, s10;
	_ =	swait.ge [sflag:s16], $0x4000  }
0x63: {  	s10 =	sand.u32 $0x380, s10;
	s19 =	sadd.s32 s9, s18;
	[sflag:s16] =	ssyncset.done $0x0  }
0x64: {  	s11 =	sadd.s32 s7, s18;
	s12 =	sor.u32 s10, s19;
	[sflag:s16] =	ssyncadd.s32 $0xFFFFC000  }
0x65: {  	[tilespmem:s31], [sflag:$0x6] =	stream.indirect.gather [hbm4b:s1+s22], $0x80, s0, s22, $0xb8;
	[tilespmem:$0x1C400] =	vst v63  }
0x66: {  	s10 =	sor.u32 s10, s11;
	s20 =	sshrl.u32 s12, $0x3  }
0x67: {  	[spmem:s2] =	stream.indirect.scatter.add.f32 [tilespmem:s25], [sflag:$0x7], $0x80, s28, s22, $0xb8;
	[tilespmem:$0x1C400] =	vst v63  }
0x68: {  	s10 =	sshrl.u32 s10, $0x3;
	s11 =	sadd.s32 s5, s20  }
0x69: {  	[tilespmem:s22], [sflag:$0x2] =	stream.linear.gather [hbm4b:s11+s4], $0x80, $0x38;
	[tilespmem:$0x1C400] =	vst v63  }
0x6a: {  	s10 =	sadd.s32 s6, s10  }
0x6b: {  	[tilespmem:s23], [sflag:$0x2] =	stream.linear.gather [hbm4b:s10+s4], $0x80, $0x38;
	[tilespmem:$0x1C400] =	vst v63  }
0x6c: {  	_ =	swait.ge [sflag:s24], $0x80  }
0x6d: {  	[sflag:s24] =	ssyncset.done $0x0  }
0x6e: {  	[sflag:s24] =	ssyncadd.s32 $0xFFFFFF80  }
0x6f: {  	_ =	swait.ge [sflag:s24], $0x80  }
0x70: {  	s18 =	simm.s32 $0x4;
	[sflag:s24] =	ssyncset.done $0x0  }
0x71: {  	s11 =	simm.s32 $0x0;
	s10 =	simm.s32 $0x0;
	[sflag:s24] =	ssyncadd.s32 $0xFFFFFF80  }
.LBB2_2:
0x72: {  	_ =	swait.ge [sflag:s13], $0x4000  }
0x73: {  	s10 =	sadd.s32 $0x200, s10;
	s12 =	smov.u32 s18;
	s18 =	sadd.s32 $0x4, s18  }
0x74: {  	s11 =	smin.u32 s11, $0x99;
	p0 =	sne.s32 s18, $0xA0;
	[sflag:s13] =	ssyncset.done $0x0  }
0x75: {  	s19 =	sshll.u32 s11, $0x7;
	s11 =	smov.u32 s12;
	[sflag:s13] =	ssyncadd.s32 $0xFFFFC000  }
0x76: {  	s12 =	sadd.s32 $0x300, s19;
	_ =	swait.ge [sflag:s14], $0x4000  }
0x77: {  	s19 =	sand.u32 $0xFC00, s12;
	s12 =	sand.u32 $0x380, s12;
	[sflag:s14] =	ssyncset.done $0x0  }
0x78: {  	s20 =	sadd.s32 s9, s19;
	s19 =	sadd.s32 s7, s19;
	[sflag:s14] =	ssyncadd.s32 $0xFFFFC000  }
0x79: {  	[tilespmem:s25], [sflag:$0x5] =	stream.indirect.gather [hbm4b:s1+s22], $0x80, s4, s22, $0xb8;
	[tilespmem:$0x1C400] =	vst v63  }
0x7a: {  	s20 =	sor.u32 s12, s20;
	s12 =	sor.u32 s12, s19  }
0x7b: {  	s19 =	sshrl.u32 s20, $0x3;
	s12 =	sshrl.u32 s12, $0x3  }
0x7c: {  	[spmem:s2] =	stream.indirect.scatter.add.f32 [tilespmem:s31], [sflag:$0x8], $0x80, s3, s22, $0xb8;
	[tilespmem:$0x1C400] =	vst v63  }
0x7d: {  	s19 =	sadd.s32 s5, s19  }
0x7e: {  	[tilespmem:s26], [sflag:$0x3] =	stream.linear.gather [hbm4b:s19+s4], $0x80, $0x38;
	[tilespmem:$0x1C400] =	vst v63  }
0x7f: {  	s20 =	sand.u32 $0x200, s10;
	s12 =	sadd.s32 s6, s12;
	s19 =	sand.u32 $0x7C00, s10  }
0x80: {  	[tilespmem:s28], [sflag:$0x3] =	stream.linear.gather [hbm4b:s12+s4], $0x80, $0x38;
	[tilespmem:$0x1C400] =	vst v63  }
0x81: {  	s12 =	sadd.s32 s9, s19;
	s19 =	sadd.s32 s7, s19;
	_ =	swait.ge [sflag:s29], $0x80  }
0x82: {  	s20 =	sor.u32 $0x180, s20;
	[sflag:s29] =	ssyncset.done $0x0  }
0x83: {  	s19 =	sor.u32 s20, s19;
	[sflag:s29] =	ssyncadd.s32 $0xFFFFFF80  }
0x84: {  	s19 =	sshrl.u32 s19, $0x3;
	_ =	swait.ge [sflag:s29], $0x80  }
0x85: {  	s12 =	sor.u32 s20, s12;
	[sflag:s29] =	ssyncset.done $0x0  }
0x86: {  	s12 =	sshrl.u32 s12, $0x3;
	[sflag:s29] =	ssyncadd.s32 $0xFFFFFF80  }
0x87: {  	_ =	swait.ge [sflag:s30], $0x4000  }
0x88: {  	p1 =	seq.s32 s11, $0x0;
	[sflag:s30] =	ssyncset.done $0x0  }
0x89: {  	s20 =	simm.s32 @!p1 $0x8;
	[sflag:s30] =	ssyncadd.s32 $0xFFFFC000  }
0x8a: {  	_ =	swait.ge @!p1 [sflag:s20], $0x4000  }
0x8b: {  	s12 =	sadd.s32 s5, s12;
	[sflag:s20] =	ssyncset.done @!p1 $0x0  }
0x8c: {  	[sflag:s20] =	ssyncadd.s32 @!p1 $0xFFFFC000  }
0x8d: {  	[tilespmem:s31], [sflag:$0x6] =	stream.indirect.gather [hbm4b:s1+s22], $0x80, s22, s22, $0xb8;
	[tilespmem:$0x1C400] =	vst v63  }
0x8e: {  	_ = 	snop  }
0x8f: {  	[spmem:s2] =	stream.indirect.scatter.add.f32 [tilespmem:s25], [sflag:$0x7], $0x80, s21, s22, $0xb8;
	[tilespmem:$0x1C400] =	vst v63  }
0x90: {  	_ = 	snop  }
0x91: {  	[tilespmem:s0], [sflag:$0x4] =	stream.linear.gather [hbm4b:s12+s4], $0x80, $0x38;
	[tilespmem:$0x1C400] =	vst v63  }
0x92: {  	s12 =	sadd.s32 s6, s19  }
0x93: {  	[tilespmem:s3], [sflag:$0x4] =	stream.linear.gather [hbm4b:s12+s4], $0x80, $0x38;
	[tilespmem:$0x1C400] =	vst v63  }
0x94: {  	_ =	swait.ge [sflag:s8], $0x80  }
0x95: {  	s12 =	smin.u32 s11, $0x9B;
	[sflag:s8] =	ssyncset.done $0x0  }
0x96: {  	s12 =	sshll.u32 s12, $0x7;
	[sflag:s8] =	ssyncadd.s32 $0xFFFFFF80  }
0x97: {  	s12 =	sadd.s32 $0x200, s12;
	_ =	swait.ge [sflag:s8], $0x80  }
0x98: {  	s19 =	sand.u32 $0xFC00, s12;
	s12 =	sand.u32 $0x380, s12;
	[sflag:s8] =	ssyncset.done $0x0  }
0x99: {  	s20 =	sadd.s32 s9, s19;
	s19 =	sadd.s32 s7, s19;
	[sflag:s8] =	ssyncadd.s32 $0xFFFFFF80  }
0x9a: {  	s20 =	sor.u32 s12, s20;
	s12 =	sor.u32 s12, s19;
	_ =	swait.ge [sflag:s13], $0x4000  }
0x9b: {  	[sflag:s13] =	ssyncset.done $0x0  }
0x9c: {  	s19 =	sshrl.u32 s20, $0x3;
	s12 =	sshrl.u32 s12, $0x3;
	[sflag:s13] =	ssyncadd.s32 $0xFFFFC000  }
0x9d: {  	_ =	swait.ge [sflag:s14], $0x4000  }
0x9e: {  	s19 =	sadd.s32 s5, s19;
	[sflag:s14] =	ssyncset.done $0x0  }
0x9f: {  	[sflag:s14] =	ssyncadd.s32 $0xFFFFC000  }
0xa0: {  	[tilespmem:s25], [sflag:$0x5] =	stream.indirect.gather [hbm4b:s1+s22], $0x80, s26, s22, $0xb8;
	[tilespmem:$0x1C400] =	vst v63  }
0xa1: {  	_ = 	snop  }
0xa2: {  	[spmem:s2] =	stream.indirect.scatter.add.f32 [tilespmem:s31], [sflag:$0x8], $0x80, s23, s22, $0xb8;
	[tilespmem:$0x1C400] =	vst v63  }
0xa3: {  	_ = 	snop  }
0xa4: {  	[tilespmem:s4], [sflag:$0x1] =	stream.linear.gather [hbm4b:s19+s4], $0x80, $0x38;
	[tilespmem:$0x1C400] =	vst v63  }
0xa5: {  	s12 =	sadd.s32 s6, s12  }
0xa6: {  	[tilespmem:s21], [sflag:$0x1] =	stream.linear.gather [hbm4b:s12+s4], $0x80, $0x38;
	[tilespmem:$0x1C400] =	vst v63  }
0xa7: {  	_ =	swait.ge [sflag:s15], $0x80  }
0xa8: {  	[sflag:s15] =	ssyncset.done $0x0  }
0xa9: {  	[sflag:s15] =	ssyncadd.s32 $0xFFFFFF80  }
0xaa: {  	s12 =	smin.u32 s11, $0x9A;
	_ =	swait.ge [sflag:s15], $0x80  }
0xab: {  	s12 =	sshll.u32 s12, $0x7;
	[sflag:s15] =	ssyncset.done $0x0  }
0xac: {  	s12 =	sadd.s32 $0x280, s12;
	[sflag:s15] =	ssyncadd.s32 $0xFFFFFF80  }
0xad: {  	s19 =	sand.u32 $0xFC00, s12;
	_ =	swait.ge [sflag:s30], $0x4000  }
0xae: {  	[sflag:s30] =	ssyncset.done $0x0  }
0xaf: {  	s20 =	sadd.s32 s9, s19;
	[sflag:s30] =	ssyncadd.s32 $0xFFFFC000  }
0xb0: {  	s12 =	sand.u32 $0x380, s12;
	s19 =	sadd.s32 s7, s19;
	_ =	swait.ge [sflag:s16], $0x4000  }
0xb1: {  	s20 =	sor.u32 s12, s20;
	s12 =	sor.u32 s12, s19;
	[sflag:s16] =	ssyncset.done $0x0  }
0xb2: {  	s19 =	sshrl.u32 s20, $0x3;
	s12 =	sshrl.u32 s12, $0x3;
	[sflag:s16] =	ssyncadd.s32 $0xFFFFC000  }
0xb3: {  	[tilespmem:s31], [sflag:$0x6] =	stream.indirect.gather [hbm4b:s1+s22], $0x80, s0, s22, $0xb8;
	[tilespmem:$0x1C400] =	vst v63  }
0xb4: {  	_ = 	snop  }
0xb5: {  	[spmem:s2] =	stream.indirect.scatter.add.f32 [tilespmem:s25], [sflag:$0x7], $0x80, s28, s22, $0xb8;
	[tilespmem:$0x1C400] =	vst v63  }
0xb6: {  	s19 =	sadd.s32 s5, s19  }
0xb7: {  	[tilespmem:s22], [sflag:$0x2] =	stream.linear.gather [hbm4b:s19+s4], $0x80, $0x38;
	[tilespmem:$0x1C400] =	vst v63  }
0xb8: {  	s12 =	sadd.s32 s6, s12  }
0xb9: {  	[tilespmem:s23], [sflag:$0x2] =	stream.linear.gather [hbm4b:s12+s4], $0x80, $0x38;
	[tilespmem:$0x1C400] =	vst v63  }
0xba: {  	_ =	swait.ge [sflag:s24], $0x80  }
.Ltmp0:
0xbb: {  	[sflag:s24] =	ssyncset.done $0x0;
	(pc) =	sbr.rel @p0 .LBB2_2-.Ltmp0, $4  }
0xbc: {  	[sflag:s24] =	ssyncadd.s32 $0xFFFFFF80  }
0xbd: {  	_ =	swait.ge [sflag:s24], $0x80  }
0xbe: {  	[sflag:s24] =	ssyncset.done $0x0  }
0xbf: {  	[sflag:s24] =	ssyncadd.s32 $0xFFFFFF80  }
0xc0: {  	_ =	swait.ge [sflag:s13], $0x4000;
	s10 =	smin.u32 s11, $0x99  }
0xc1: {  	[sflag:s13] =	ssyncset.done $0x0;
	s10 =	sshll.u32 s10, $0x7  }
0xc2: {  	[sflag:s13] =	ssyncadd.s32 $0xFFFFC000;
	s10 =	sadd.s32 $0x300, s10  }
0xc3: {  	_ =	swait.ge [sflag:s14], $0x4000;
	s20 =	sand.u32 $0xFC00, s10  }
0xc4: {  	s10 =	sand.u32 $0x380, s10;
	[sflag:s14] =	ssyncset.done $0x0;
	s12 =	sadd.s32 s9, s20  }
0xc5: {  	s11 =	sadd.s32 s7, s20;
	[sflag:s14] =	ssyncadd.s32 $0xFFFFC000;
	s12 =	sor.u32 s10, s12  }
0xc6: {  	[tilespmem:s25], [sflag:$0x5] =	stream.indirect.gather [hbm4b:s1+s22], $0x80, s4, s22, $0xb8;
	[tilespmem:$0x1C400] =	vst v63  }
0xc7: {  	s10 =	sor.u32 s10, s11;
	s12 =	sshrl.u32 s12, $0x3  }
0xc8: {  	[spmem:s2] =	stream.indirect.scatter.add.f32 [tilespmem:s31], [sflag:$0x8], $0x80, s3, s22, $0xb8;
	[tilespmem:$0x1C400] =	vst v63  }
0xc9: {  	s10 =	sshrl.u32 s10, $0x3;
	s18 =	sadd.s32 s5, s12  }
0xca: {  	[tilespmem:s26], [sflag:$0x3] =	stream.linear.gather [hbm4b:s18+s4], $0x80, $0x38;
	[tilespmem:$0x1C400] =	vst v63  }
0xcb: {  	s10 =	sadd.s32 s6, s10  }
0xcc: {  	[tilespmem:s28], [sflag:$0x3] =	stream.linear.gather [hbm4b:s10+s4], $0x80, $0x38;
	[tilespmem:$0x1C400] =	vst v63  }
0xcd: {  	_ =	swait.ge [sflag:s30], $0x4000  }
0xce: {  	[sflag:s30] =	ssyncset.done $0x0  }
0xcf: {  	[sflag:s30] =	ssyncadd.s32 $0xFFFFC000  }
0xd0: {  	_ =	swait.ge [sflag:s16], $0x4000  }
0xd1: {  	[sflag:s16] =	ssyncset.done $0x0  }
0xd2: {  	[sflag:s16] =	ssyncadd.s32 $0xFFFFC000  }
0xd3: {  	_ =	swait.ge [sflag:s29], $0x80  }
0xd4: {  	[sflag:s29] =	ssyncset.done $0x0  }
0xd5: {  	[sflag:s29] =	ssyncadd.s32 $0xFFFFFF80  }
0xd6: {  	_ =	swait.ge [sflag:s29], $0x80  }
0xd7: {  	[sflag:s29] =	ssyncset.done $0x0  }
0xd8: {  	[sflag:s29] =	ssyncadd.s32 $0xFFFFFF80  }
0xd9: {  	_ =	swait.ge [sflag:s8], $0x80  }
0xda: {  	[sflag:s8] =	ssyncset.done $0x0  }
0xdb: {  	[sflag:s8] =	ssyncadd.s32 $0xFFFFFF80  }
0xdc: {  	_ =	swait.ge [sflag:s8], $0x80  }
0xdd: {  	[sflag:s8] =	ssyncset.done $0x0  }
0xde: {  	[sflag:s8] =	ssyncadd.s32 $0xFFFFFF80  }
0xdf: {  	[bflag:$0x0] =	sbarrier.arrive $0xFFFF  }
0xe0: {  	s12 =	rddreg [dreg:$0x7]  }
0xe1: {  	s19 =	rddreg [dreg:$0xc]  }
0xe2: {  	s18 =	simm.s32 $0x9;
	s11 =	rddreg [dreg:$0xe]  }
0xe3: {  	[hbm:s19], [sflag:s12] =	dma.local [spmem:s11], $0x2800  }
0xe4: {  	_ =	swait.ge [sflag:s18], $0x2800  }
0xe5: {  	s17 =	sadd.s32 $0x1, s17;
	s20 =	rddreg [dreg:$0xd]  }
0xe6: {  	p0 =	sne.s32 s17, s20  }
.Ltmp1:
0xe7: {  	_ = 	snop;
	(pc) =	sbr.rel @p0 .LBB2_1-.Ltmp1, $3  }
0xe8: {  	_ =	sdelay $0x1  }
0xe9: {  	[sflag:s18] =	ssyncset.done $0x0  }
0xea: {  	[sflag:s18] =	ssyncadd.s32 $0xFFFFD800  }
0xeb: {  	_ =	sfence.sel $0x180000  }
0xec: {  	[bflag:$0x0] =	sbarrier.arrive $0xFFFF  }
0xed: {  	_ =	strace $0x9000004A  }
0xee: {  	s0 =	stileid.u32;
	[bflag:$0x2] =	sbarrier.arrive $0xFFFF  }
0xef: {  	p0 =	sne.s32 s0, $0x0;
	s0 =	rddreg [dreg:$0x3]  }
0xf0: {  	s0 =	sadd.s32 @!p0 $0x100000, s0  }
0xf1: {  	[sflag:s0] =	ssyncadd.tile.s32 @!p0 $0x1;
	_ =	shalt  }
.Lfunc_end2:
_tile_overlayer_lowered:
.L_overlay_start_2:
0xf2: {  	(tag) =	ssettag $0x2  }
0xf3: {  	s0 =	rddreg [dreg:$0x0];
	s2 =	stileid.u32  }
0xf4: {  	s1 =	rddreg [dreg:$0x1];
	p0 =	sne.s32 s2, $0x0  }
0xf5: {  	s3 =	rddreg [dreg:$0x2];
	[bflag:$0x3] =	sbarrier.arrive $0xFFFF;
	s2 =	simm.s32 @!p0 $0x1C09  }
0xf6: {  	[timem:s3], [sflag:s2] =	dma.local @!p0 [hbm:s0], s1  }
0xf7: {  	s0 =	simm.s32 @!p0 $0x9  }
0xf8: {  	_ =	swait.ge @!p0 [sflag:s0], s1  }
0xf9: {  	s1 =	ssub.s32 @!p0 $0x0, s1;
	[sflag:s0] =	ssyncset.done @!p0 $0x0  }
0xfa: {  	[sflag:s0] =	ssyncadd.s32 @!p0 s1  }
0xfb: {  	[bflag:$0x3] =	sbarrier.arrive $0xFFFF  }
0xfc: {  	_ =	shalt  }

</sc_bundles>
